<compile_context>
chip_gen: v7x
topology: tpu7x:2x2x1
jax: 0.10.2.dev20260603
libtpu: 0.0.44.dev20260713+nightly
codegen_flags: <defaults>
</compile_context>

<pallas_src>
import functools

import jax
import jax.numpy as jnp
from jax import lax
from jax.experimental import pallas as pl
from jax.experimental.pallas import tpu as pltpu
from jax.experimental.pallas import tpu_sc as plsc

_VOCAB = 1000
_D = 128
_B = 1024
_L = 50
_CB = 64
_NBC = _B // _CB
_NW = 32
_L0 = 24
_L1 = _L - _L0


def _make_gather(nch):
    mesh = plsc.VectorSubcoreMesh(core_axis_name="c", subcore_axis_name="s")

    @functools.partial(
        pl.kernel,
        out_type=jax.ShapeDtypeStruct((_NW * nch, _CB, _D), jnp.float32),
        mesh=mesh,
        scratch_types=[
            pltpu.VMEM((nch, _CB), jnp.int32),
            pltpu.VMEM((_CB, _D), jnp.float32),
            pltpu.VMEM((_CB, _D), jnp.float32),
            pltpu.SemaphoreType.DMA,
            pltpu.SemaphoreType.DMA,
        ],
    )
    def gather(ids_hbm, emb_hbm, x_hbm, idx_v, buf0, buf1, sem0, sem1):
        wid = lax.axis_index("s") * 2 + lax.axis_index("c")
        base = wid * nch
        pltpu.sync_copy(ids_hbm.at[wid], idx_v)

        def g(c, buf, sem):
            return pltpu.make_async_copy(emb_hbm.at[idx_v.at[c]], buf, sem)

        def w(c, buf):
            pltpu.sync_copy(buf, x_hbm.at[base + c])

        g(0, buf0, sem0).start()

        def body(p, carry):
            a = 2 * p
            g(a + 1, buf1, sem1).start()
            g(a, buf0, sem0).wait()
            w(a, buf0)
            g(a + 2, buf0, sem0).start()
            g(a + 1, buf1, sem1).wait()
            w(a + 1, buf1)
            return carry

        if nch % 2 == 0:
            lax.fori_loop(0, nch // 2 - 1, body, 0)
            g(nch - 1, buf1, sem1).start()
            g(nch - 2, buf0, sem0).wait()
            w(nch - 2, buf0)
            g(nch - 1, buf1, sem1).wait()
            w(nch - 1, buf1)
        else:
            lax.fori_loop(0, (nch - 3) // 2, body, 0)
            g(nch - 2, buf1, sem1).start()
            g(nch - 3, buf0, sem0).wait()
            w(nch - 3, buf0)
            g(nch - 1, buf0, sem0).start()
            g(nch - 2, buf1, sem1).wait()
            w(nch - 2, buf1)
            g(nch - 1, buf0, sem0).wait()
            w(nch - 1, buf0)

    return gather


_gather0 = _make_gather(_L0 * _NBC // _NW)
_gather1 = _make_gather(_L1 * _NBC // _NW)


def _head_body(x_ref, w_ref, b_ref, out_ref):
    xl = x_ref[...].reshape(_B, _D)
    res = lax.dot_general(
        w_ref[...], xl, (((1,), (1,)), ((), ())),
        preferred_element_type=jnp.float32)
    out_ref[...] = (res + b_ref[...]).reshape(1, _VOCAB, _B)


def _head0(x, w, b2d):
    return pl.pallas_call(
        _head_body,
        grid=(_L0,),
        in_specs=[
            pl.BlockSpec((_NBC, _CB, _D), lambda i: (i, 0, 0)),
            pl.BlockSpec((_VOCAB, _D), lambda i: (0, 0)),
            pl.BlockSpec((_VOCAB, 1), lambda i: (0, 0)),
        ],
        out_specs=pl.BlockSpec((1, _VOCAB, _B), lambda i: (i, 0, 0)),
        out_shape=jax.ShapeDtypeStruct((_L, _VOCAB, _B), jnp.float32),
    )(x, w, b2d)


def _head1_body(x_ref, w_ref, b_ref, prev_ref, out_ref):
    del prev_ref
    _head_body(x_ref, w_ref, b_ref, out_ref)


def _head1(x, w, b2d, prev):
    return pl.pallas_call(
        _head1_body,
        grid=(_L1,),
        in_specs=[
            pl.BlockSpec((_NBC, _CB, _D), lambda i: (i, 0, 0)),
            pl.BlockSpec((_VOCAB, _D), lambda i: (0, 0)),
            pl.BlockSpec((_VOCAB, 1), lambda i: (0, 0)),
            pl.BlockSpec((1, _VOCAB, _B), lambda i: (i + _L0, 0, 0)),
        ],
        out_specs=pl.BlockSpec((1, _VOCAB, _B), lambda i: (i + _L0, 0, 0)),
        out_shape=jax.ShapeDtypeStruct((_L, _VOCAB, _B), jnp.float32),
        input_output_aliases={3: 0},
    )(x, w, b2d, prev)


def kernel(input_ids, emb_table, head_w, head_b):
    ids = input_ids.astype(jnp.int32)
    ids_t = ids.T.reshape(_L * _NBC, _CB)
    n0 = _L0 * _NBC
    ids0 = ids_t[:n0].reshape(_NW, -1, _CB)
    ids1 = ids_t[n0:].reshape(_NW, -1, _CB)
    b2d = head_b.reshape(_VOCAB, 1)
    x0 = _gather0(ids0, emb_table)
    x1 = _gather1(ids1, emb_table)
    out_t = _head0(x0, head_w, b2d)
    out_t = _head1(x1, head_w, b2d, out_t)
    return jnp.transpose(out_t, (2, 0, 1))

# --- scband reference (transcript-rebuilt; emitter-appended) ---
"""Pipeline reference for scband-lmstub-86062554677639 (READ-ONLY COPY).

The authoritative reference and input builder live on the scoring server;
editing this copy changes nothing except your own understanding.
"""

import jax, jax.numpy as jnp
import numpy as np

VOCAB = 1000
D_MODEL = 128
B = 1024
L = 50

def setup_inputs(seed: int = 0) -> dict:
    key = jax.random.key(seed)
    k1, k2, k3, k4 = jax.random.split(key, 4)
    input_ids = jax.random.randint(k1, (B, L), 0, VOCAB, dtype=jnp.int64)
    emb_table = jax.random.normal(k2, (VOCAB, D_MODEL), dtype=jnp.float32)
    # nn.Linear(d_model, vocab): weight [vocab, d_model], bias [vocab]
    bound = 1.0 / np.sqrt(D_MODEL)
    head_w = jax.random.uniform(k3, (VOCAB, D_MODEL), minval=-bound, maxval=bound, dtype=jnp.float32)
    head_b = jax.random.uniform(k4, (VOCAB,), minval=-bound, maxval=bound, dtype=jnp.float32)
    return {"input_ids": input_ids, "emb_table": emb_table, "head_w": head_w, "head_b": head_b}

def reference(input_ids, emb_table, head_w, head_b):
    # embedding lookup (gather)
    x = jnp.take(emb_table, input_ids, axis=0)  # [B, L, d_model]
    # linear head: x @ W^T + b
    logits = jnp.einsum('bld,vd->blv', x, head_w) + head_b
    return logits

if __name__ == "__main__":
    import jax
    _d = setup_inputs()
    print(jax.jit(kernel)(*tuple(_d.values())))

</pallas_src>

<mosaic_0001>
#map = affine_map<(d0, d1) -> (0, 0, 0)>
#map1 = affine_map<(d0, d1) -> (0, 0)>
module attributes {stable_mosaic.version = 14 : i64} {
  func.func @gather(%arg0: i32, %arg1: i32, %arg2: memref<32x12x64xi32, #tpu.memory_space<hbm>>, %arg3: memref<1000x128xf32, #tpu.memory_space<hbm>>, %arg4: memref<384x64x128xf32, #tpu.memory_space<hbm>>, %arg5: memref<12x64xi32, #tpu.memory_space<vmem>>, %arg6: memref<64x128xf32, #tpu.memory_space<vmem>>, %arg7: memref<64x128xf32, #tpu.memory_space<vmem>>, %arg8: memref<!tpu.dma_semaphore, #tpu.memory_space<semaphore_mem>>, %arg9: memref<!tpu.dma_semaphore, #tpu.memory_space<semaphore_mem>>) attributes {dimension_semantics = [#tpu.dimension_semantics<core_parallel>, #tpu.dimension_semantics<subcore_parallel>], iteration_bounds = array<i64: 2, 16>, scalar_prefetch = 0 : i64, scratch_operands = 5 : i64, tpu.core_type = #tpu.core_type<sc_vector_subcore>, window_params = [{transform_indices = #map}, {transform_indices = #map1}, {transform_indices = #map}]} {
    %mul3A = arith.constant 2 : i32
    %mul3A_0 = arith.muli %arg1, %mul3A : i32
    %add3A = arith.addi %mul3A_0, %arg0 : i32
    %mul3A_1 = arith.constant 12 : i32
    %mul3A_2 = arith.muli %add3A, %mul3A_1 : i32
    "tpu.region"() ({
      %run_scoped3A = tpu.sem_alloc : memref<!tpu.dma_semaphore, #tpu.memory_space<semaphore_mem>>
      %dma_start3A_38 = arith.constant 0 : i32
      %dma_start3A_39 = arith.constant 0 : i32
      %dma_start3A_40 = tpu.memref_slice %arg2[%add3A, %dma_start3A_38, %dma_start3A_39] : memref<32x12x64xi32, #tpu.memory_space<hbm>> -> memref<1x12x64xi32, #tpu.memory_space<hbm>>
      %dma_start3A_41 = tpu.memref_squeeze %dma_start3A_40 : memref<1x12x64xi32, #tpu.memory_space<hbm>> -> memref<12x64xi32, #tpu.memory_space<hbm>>
      %dma_start3A_42 = arith.constant 0 : i32
      %dma_start3A_43 = arith.constant 0 : i32
      %dma_start3A_44 = tpu.memref_slice %arg2[%add3A, %dma_start3A_42, %dma_start3A_43] : memref<32x12x64xi32, #tpu.memory_space<hbm>> -> memref<1x12x64xi32, #tpu.memory_space<hbm>>
      %dma_start3A_45 = tpu.memref_squeeze %dma_start3A_44 : memref<1x12x64xi32, #tpu.memory_space<hbm>> -> memref<12x64xi32, #tpu.memory_space<hbm>>
      tpu.enqueue_dma source(%dma_start3A_45 : memref<12x64xi32, #tpu.memory_space<hbm>>) target(%arg5 : memref<12x64xi32, #tpu.memory_space<vmem>>) target_semaphore(%run_scoped3A : memref<!tpu.dma_semaphore, #tpu.memory_space<semaphore_mem>>)
      %dma_wait3A_46 = arith.constant 0 : i32
      %dma_wait3A_47 = arith.constant 0 : i32
      %dma_wait3A_48 = tpu.memref_slice %arg2[%add3A, %dma_wait3A_46, %dma_wait3A_47] : memref<32x12x64xi32, #tpu.memory_space<hbm>> -> memref<1x12x64xi32, #tpu.memory_space<hbm>>
      %dma_wait3A_49 = tpu.memref_squeeze %dma_wait3A_48 : memref<1x12x64xi32, #tpu.memory_space<hbm>> -> memref<12x64xi32, #tpu.memory_space<hbm>>
      %dma_wait3A_50 = arith.constant 0 : i32
      %dma_wait3A_51 = arith.constant 0 : i32
      %dma_wait3A_52 = tpu.memref_slice %arg2[%add3A, %dma_wait3A_50, %dma_wait3A_51] : memref<32x12x64xi32, #tpu.memory_space<hbm>> -> memref<1x12x64xi32, #tpu.memory_space<hbm>>
      %dma_wait3A_53 = tpu.memref_squeeze %dma_wait3A_52 : memref<1x12x64xi32, #tpu.memory_space<hbm>> -> memref<12x64xi32, #tpu.memory_space<hbm>>
      tpu.wait_dma2 semaphore(%run_scoped3A : memref<!tpu.dma_semaphore, #tpu.memory_space<semaphore_mem>>) src(%dma_wait3A_53 : memref<12x64xi32, #tpu.memory_space<hbm>>) dst(%arg5 : memref<12x64xi32, #tpu.memory_space<vmem>>)
      tpu.yield
    }) : () -> ()
    %dma_start3A = arith.constant 0 : i32
    %dma_start3A_3 = arith.constant 0 : i32
    %dma_start3A_4 = tpu.memref_slice %arg5[%dma_start3A, %dma_start3A_3] : memref<12x64xi32, #tpu.memory_space<vmem>> -> memref<1x64xi32, #tpu.memory_space<vmem>>
    %dma_start3A_5 = tpu.memref_squeeze %dma_start3A_4 : memref<1x64xi32, #tpu.memory_space<vmem>> -> memref<64xi32, #tpu.memory_space<vmem>>
    %dma_start3A_6 = arith.constant 0 : i32
    %dma_start3A_7 = arith.constant 0 : i32
    %dma_start3A_8 = tpu.memref_slice %arg3[%dma_start3A_6, %dma_start3A_7] : memref<1000x128xf32, #tpu.memory_space<hbm>> -> memref<1000x128xf32, #tpu.memory_space<hbm>>
    tpu.enqueue_indirect_dma source(%dma_start3A_8 : memref<1000x128xf32, #tpu.memory_space<hbm>>) target(%arg6 : memref<64x128xf32, #tpu.memory_space<vmem>>) offsets(%dma_start3A_5 : memref<64xi32, #tpu.memory_space<vmem>>) semaphore(%arg8 : memref<!tpu.dma_semaphore, #tpu.memory_space<semaphore_mem>>)
    %scan3A = arith.constant 0 : i32
    %scan3A_9 = arith.constant 0 : i32
    %scan3A_10 = arith.constant 5 : i32
    %scan3A_11 = arith.addi %scan3A_9, %scan3A_10 : i32
    %scan3A_12 = arith.constant 1 : i32
    scf.for %scan3A_38 = %scan3A_9 to %scan3A_11 step %scan3A_12  : i32 {
      %mul3A_39 = arith.constant 2 : i32
      %mul3A_40 = arith.muli %mul3A_39, %scan3A_38 : i32
      %add3A_41 = arith.constant 1 : i32
      %add3A_42 = arith.addi %mul3A_40, %add3A_41 : i32
      %dma_start3A_43 = arith.constant 0 : i32
      %dma_start3A_44 = tpu.memref_slice %arg5[%add3A_42, %dma_start3A_43] : memref<12x64xi32, #tpu.memory_space<vmem>> -> memref<1x64xi32, #tpu.memory_space<vmem>>
      %dma_start3A_45 = tpu.memref_squeeze %dma_start3A_44 : memref<1x64xi32, #tpu.memory_space<vmem>> -> memref<64xi32, #tpu.memory_space<vmem>>
      %dma_start3A_46 = arith.constant 0 : i32
      %dma_start3A_47 = arith.constant 0 : i32
      %dma_start3A_48 = tpu.memref_slice %arg3[%dma_start3A_46, %dma_start3A_47] : memref<1000x128xf32, #tpu.memory_space<hbm>> -> memref<1000x128xf32, #tpu.memory_space<hbm>>
      tpu.enqueue_indirect_dma source(%dma_start3A_48 : memref<1000x128xf32, #tpu.memory_space<hbm>>) target(%arg7 : memref<64x128xf32, #tpu.memory_space<vmem>>) offsets(%dma_start3A_45 : memref<64xi32, #tpu.memory_space<vmem>>) semaphore(%arg9 : memref<!tpu.dma_semaphore, #tpu.memory_space<semaphore_mem>>)
      %dma_wait3A_49 = arith.constant 0 : i32
      %dma_wait3A_50 = tpu.memref_slice %arg5[%mul3A_40, %dma_wait3A_49] : memref<12x64xi32, #tpu.memory_space<vmem>> -> memref<1x64xi32, #tpu.memory_space<vmem>>
      %dma_wait3A_51 = tpu.memref_squeeze %dma_wait3A_50 : memref<1x64xi32, #tpu.memory_space<vmem>> -> memref<64xi32, #tpu.memory_space<vmem>>
      %dma_wait3A_52 = arith.constant 0 : i32
      %dma_wait3A_53 = arith.constant 0 : i32
      %dma_wait3A_54 = tpu.memref_slice %arg3[%dma_wait3A_52, %dma_wait3A_53] : memref<1000x128xf32, #tpu.memory_space<hbm>> -> memref<1000x128xf32, #tpu.memory_space<hbm>>
      tpu.wait_indirect_dma semaphore(%arg8 : memref<!tpu.dma_semaphore, #tpu.memory_space<semaphore_mem>>) src(%dma_wait3A_54 : memref<1000x128xf32, #tpu.memory_space<hbm>>) dst(%arg6 : memref<64x128xf32, #tpu.memory_space<vmem>>)
      %add3A_55 = arith.addi %mul3A_2, %mul3A_40 : i32
      "tpu.region"() ({
        %run_scoped3A = tpu.sem_alloc : memref<!tpu.dma_semaphore, #tpu.memory_space<semaphore_mem>>
        %dma_start3A_75 = arith.constant 0 : i32
        %dma_start3A_76 = arith.constant 0 : i32
        %dma_start3A_77 = tpu.memref_slice %arg4[%add3A_55, %dma_start3A_75, %dma_start3A_76] : memref<384x64x128xf32, #tpu.memory_space<hbm>> -> memref<1x64x128xf32, #tpu.memory_space<hbm>>
        %dma_start3A_78 = tpu.memref_squeeze %dma_start3A_77 : memref<1x64x128xf32, #tpu.memory_space<hbm>> -> memref<64x128xf32, #tpu.memory_space<hbm>>
        %dma_start3A_79 = arith.constant 0 : i32
        %dma_start3A_80 = arith.constant 0 : i32
        %dma_start3A_81 = tpu.memref_slice %arg4[%add3A_55, %dma_start3A_79, %dma_start3A_80] : memref<384x64x128xf32, #tpu.memory_space<hbm>> -> memref<1x64x128xf32, #tpu.memory_space<hbm>>
        %dma_start3A_82 = tpu.memref_squeeze %dma_start3A_81 : memref<1x64x128xf32, #tpu.memory_space<hbm>> -> memref<64x128xf32, #tpu.memory_space<hbm>>
        tpu.enqueue_dma source(%arg6 : memref<64x128xf32, #tpu.memory_space<vmem>>) target(%dma_start3A_82 : memref<64x128xf32, #tpu.memory_space<hbm>>) target_semaphore(%run_scoped3A : memref<!tpu.dma_semaphore, #tpu.memory_space<semaphore_mem>>)
        %dma_wait3A_83 = arith.constant 0 : i32
        %dma_wait3A_84 = arith.constant 0 : i32
        %dma_wait3A_85 = tpu.memref_slice %arg4[%add3A_55, %dma_wait3A_83, %dma_wait3A_84] : memref<384x64x128xf32, #tpu.memory_space<hbm>> -> memref<1x64x128xf32, #tpu.memory_space<hbm>>
        %dma_wait3A_86 = tpu.memref_squeeze %dma_wait3A_85 : memref<1x64x128xf32, #tpu.memory_space<hbm>> -> memref<64x128xf32, #tpu.memory_space<hbm>>
        %dma_wait3A_87 = arith.constant 0 : i32
        %dma_wait3A_88 = arith.constant 0 : i32
        %dma_wait3A_89 = tpu.memref_slice %arg4[%add3A_55, %dma_wait3A_87, %dma_wait3A_88] : memref<384x64x128xf32, #tpu.memory_space<hbm>> -> memref<1x64x128xf32, #tpu.memory_space<hbm>>
        %dma_wait3A_90 = tpu.memref_squeeze %dma_wait3A_89 : memref<1x64x128xf32, #tpu.memory_space<hbm>> -> memref<64x128xf32, #tpu.memory_space<hbm>>
        tpu.wait_dma2 semaphore(%run_scoped3A : memref<!tpu.dma_semaphore, #tpu.memory_space<semaphore_mem>>) src(%arg6 : memref<64x128xf32, #tpu.memory_space<vmem>>) dst(%dma_wait3A_90 : memref<64x128xf32, #tpu.memory_space<hbm>>)
        tpu.yield
      }) : () -> ()
      %add3A_56 = arith.constant 2 : i32
      %add3A_57 = arith.addi %mul3A_40, %add3A_56 : i32
      %dma_start3A_58 = arith.constant 0 : i32
      %dma_start3A_59 = tpu.memref_slice %arg5[%add3A_57, %dma_start3A_58] : memref<12x64xi32, #tpu.memory_space<vmem>> -> memref<1x64xi32, #tpu.memory_space<vmem>>
      %dma_start3A_60 = tpu.memref_squeeze %dma_start3A_59 : memref<1x64xi32, #tpu.memory_space<vmem>> -> memref<64xi32, #tpu.memory_space<vmem>>
      %dma_start3A_61 = arith.constant 0 : i32
      %dma_start3A_62 = arith.constant 0 : i32
      %dma_start3A_63 = tpu.memref_slice %arg3[%dma_start3A_61, %dma_start3A_62] : memref<1000x128xf32, #tpu.memory_space<hbm>> -> memref<1000x128xf32, #tpu.memory_space<hbm>>
      tpu.enqueue_indirect_dma source(%dma_start3A_63 : memref<1000x128xf32, #tpu.memory_space<hbm>>) target(%arg6 : memref<64x128xf32, #tpu.memory_space<vmem>>) offsets(%dma_start3A_60 : memref<64xi32, #tpu.memory_space<vmem>>) semaphore(%arg8 : memref<!tpu.dma_semaphore, #tpu.memory_space<semaphore_mem>>)
      %add3A_64 = arith.constant 1 : i32
      %add3A_65 = arith.addi %mul3A_40, %add3A_64 : i32
      %dma_wait3A_66 = arith.constant 0 : i32
      %dma_wait3A_67 = tpu.memref_slice %arg5[%add3A_65, %dma_wait3A_66] : memref<12x64xi32, #tpu.memory_space<vmem>> -> memref<1x64xi32, #tpu.memory_space<vmem>>
      %dma_wait3A_68 = tpu.memref_squeeze %dma_wait3A_67 : memref<1x64xi32, #tpu.memory_space<vmem>> -> memref<64xi32, #tpu.memory_space<vmem>>
      %dma_wait3A_69 = arith.constant 0 : i32
      %dma_wait3A_70 = arith.constant 0 : i32
      %dma_wait3A_71 = tpu.memref_slice %arg3[%dma_wait3A_69, %dma_wait3A_70] : memref<1000x128xf32, #tpu.memory_space<hbm>> -> memref<1000x128xf32, #tpu.memory_space<hbm>>
      tpu.wait_indirect_dma semaphore(%arg9 : memref<!tpu.dma_semaphore, #tpu.memory_space<semaphore_mem>>) src(%dma_wait3A_71 : memref<1000x128xf32, #tpu.memory_space<hbm>>) dst(%arg7 : memref<64x128xf32, #tpu.memory_space<vmem>>)
      %add3A_72 = arith.constant 1 : i32
      %add3A_73 = arith.addi %mul3A_40, %add3A_72 : i32
      %add3A_74 = arith.addi %mul3A_2, %add3A_73 : i32
      "tpu.region"() ({
        %run_scoped3A = tpu.sem_alloc : memref<!tpu.dma_semaphore, #tpu.memory_space<semaphore_mem>>
        %dma_start3A_75 = arith.constant 0 : i32
        %dma_start3A_76 = arith.constant 0 : i32
        %dma_start3A_77 = tpu.memref_slice %arg4[%add3A_74, %dma_start3A_75, %dma_start3A_76] : memref<384x64x128xf32, #tpu.memory_space<hbm>> -> memref<1x64x128xf32, #tpu.memory_space<hbm>>
        %dma_start3A_78 = tpu.memref_squeeze %dma_start3A_77 : memref<1x64x128xf32, #tpu.memory_space<hbm>> -> memref<64x128xf32, #tpu.memory_space<hbm>>
        %dma_start3A_79 = arith.constant 0 : i32
        %dma_start3A_80 = arith.constant 0 : i32
        %dma_start3A_81 = tpu.memref_slice %arg4[%add3A_74, %dma_start3A_79, %dma_start3A_80] : memref<384x64x128xf32, #tpu.memory_space<hbm>> -> memref<1x64x128xf32, #tpu.memory_space<hbm>>
        %dma_start3A_82 = tpu.memref_squeeze %dma_start3A_81 : memref<1x64x128xf32, #tpu.memory_space<hbm>> -> memref<64x128xf32, #tpu.memory_space<hbm>>
        tpu.enqueue_dma source(%arg7 : memref<64x128xf32, #tpu.memory_space<vmem>>) target(%dma_start3A_82 : memref<64x128xf32, #tpu.memory_space<hbm>>) target_semaphore(%run_scoped3A : memref<!tpu.dma_semaphore, #tpu.memory_space<semaphore_mem>>)
        %dma_wait3A_83 = arith.constant 0 : i32
        %dma_wait3A_84 = arith.constant 0 : i32
        %dma_wait3A_85 = tpu.memref_slice %arg4[%add3A_74, %dma_wait3A_83, %dma_wait3A_84] : memref<384x64x128xf32, #tpu.memory_space<hbm>> -> memref<1x64x128xf32, #tpu.memory_space<hbm>>
        %dma_wait3A_86 = tpu.memref_squeeze %dma_wait3A_85 : memref<1x64x128xf32, #tpu.memory_space<hbm>> -> memref<64x128xf32, #tpu.memory_space<hbm>>
        %dma_wait3A_87 = arith.constant 0 : i32
        %dma_wait3A_88 = arith.constant 0 : i32
        %dma_wait3A_89 = tpu.memref_slice %arg4[%add3A_74, %dma_wait3A_87, %dma_wait3A_88] : memref<384x64x128xf32, #tpu.memory_space<hbm>> -> memref<1x64x128xf32, #tpu.memory_space<hbm>>
        %dma_wait3A_90 = tpu.memref_squeeze %dma_wait3A_89 : memref<1x64x128xf32, #tpu.memory_space<hbm>> -> memref<64x128xf32, #tpu.memory_space<hbm>>
        tpu.wait_dma2 semaphore(%run_scoped3A : memref<!tpu.dma_semaphore, #tpu.memory_space<semaphore_mem>>) src(%arg7 : memref<64x128xf32, #tpu.memory_space<vmem>>) dst(%dma_wait3A_90 : memref<64x128xf32, #tpu.memory_space<hbm>>)
        tpu.yield
      }) : () -> ()
    }
    %scan3A_13 = arith.constant 5 : i32
    %dma_start3A_14 = arith.constant 11 : i32
    %dma_start3A_15 = arith.constant 0 : i32
    %dma_start3A_16 = tpu.memref_slice %arg5[%dma_start3A_14, %dma_start3A_15] : memref<12x64xi32, #tpu.memory_space<vmem>> -> memref<1x64xi32, #tpu.memory_space<vmem>>
    %dma_start3A_17 = tpu.memref_squeeze %dma_start3A_16 : memref<1x64xi32, #tpu.memory_space<vmem>> -> memref<64xi32, #tpu.memory_space<vmem>>
    %dma_start3A_18 = arith.constant 0 : i32
    %dma_start3A_19 = arith.constant 0 : i32
    %dma_start3A_20 = tpu.memref_slice %arg3[%dma_start3A_18, %dma_start3A_19] : memref<1000x128xf32, #tpu.memory_space<hbm>> -> memref<1000x128xf32, #tpu.memory_space<hbm>>
    tpu.enqueue_indirect_dma source(%dma_start3A_20 : memref<1000x128xf32, #tpu.memory_space<hbm>>) target(%arg7 : memref<64x128xf32, #tpu.memory_space<vmem>>) offsets(%dma_start3A_17 : memref<64xi32, #tpu.memory_space<vmem>>) semaphore(%arg9 : memref<!tpu.dma_semaphore, #tpu.memory_space<semaphore_mem>>)
    %dma_wait3A = arith.constant 10 : i32
    %dma_wait3A_21 = arith.constant 0 : i32
    %dma_wait3A_22 = tpu.memref_slice %arg5[%dma_wait3A, %dma_wait3A_21] : memref<12x64xi32, #tpu.memory_space<vmem>> -> memref<1x64xi32, #tpu.memory_space<vmem>>
    %dma_wait3A_23 = tpu.memref_squeeze %dma_wait3A_22 : memref<1x64xi32, #tpu.memory_space<vmem>> -> memref<64xi32, #tpu.memory_space<vmem>>
    %dma_wait3A_24 = arith.constant 0 : i32
    %dma_wait3A_25 = arith.constant 0 : i32
    %dma_wait3A_26 = tpu.memref_slice %arg3[%dma_wait3A_24, %dma_wait3A_25] : memref<1000x128xf32, #tpu.memory_space<hbm>> -> memref<1000x128xf32, #tpu.memory_space<hbm>>
    tpu.wait_indirect_dma semaphore(%arg8 : memref<!tpu.dma_semaphore, #tpu.memory_space<semaphore_mem>>) src(%dma_wait3A_26 : memref<1000x128xf32, #tpu.memory_space<hbm>>) dst(%arg6 : memref<64x128xf32, #tpu.memory_space<vmem>>)
    %add3A_27 = arith.constant 10 : i32
    %add3A_28 = arith.addi %mul3A_2, %add3A_27 : i32
    "tpu.region"() ({
      %run_scoped3A = tpu.sem_alloc : memref<!tpu.dma_semaphore, #tpu.memory_space<semaphore_mem>>
      %dma_start3A_38 = arith.constant 0 : i32
      %dma_start3A_39 = arith.constant 0 : i32
      %dma_start3A_40 = tpu.memref_slice %arg4[%add3A_28, %dma_start3A_38, %dma_start3A_39] : memref<384x64x128xf32, #tpu.memory_space<hbm>> -> memref<1x64x128xf32, #tpu.memory_space<hbm>>
      %dma_start3A_41 = tpu.memref_squeeze %dma_start3A_40 : memref<1x64x128xf32, #tpu.memory_space<hbm>> -> memref<64x128xf32, #tpu.memory_space<hbm>>
      %dma_start3A_42 = arith.constant 0 : i32
      %dma_start3A_43 = arith.constant 0 : i32
      %dma_start3A_44 = tpu.memref_slice %arg4[%add3A_28, %dma_start3A_42, %dma_start3A_43] : memref<384x64x128xf32, #tpu.memory_space<hbm>> -> memref<1x64x128xf32, #tpu.memory_space<hbm>>
      %dma_start3A_45 = tpu.memref_squeeze %dma_start3A_44 : memref<1x64x128xf32, #tpu.memory_space<hbm>> -> memref<64x128xf32, #tpu.memory_space<hbm>>
      tpu.enqueue_dma source(%arg6 : memref<64x128xf32, #tpu.memory_space<vmem>>) target(%dma_start3A_45 : memref<64x128xf32, #tpu.memory_space<hbm>>) target_semaphore(%run_scoped3A : memref<!tpu.dma_semaphore, #tpu.memory_space<semaphore_mem>>)
      %dma_wait3A_46 = arith.constant 0 : i32
      %dma_wait3A_47 = arith.constant 0 : i32
      %dma_wait3A_48 = tpu.memref_slice %arg4[%add3A_28, %dma_wait3A_46, %dma_wait3A_47] : memref<384x64x128xf32, #tpu.memory_space<hbm>> -> memref<1x64x128xf32, #tpu.memory_space<hbm>>
      %dma_wait3A_49 = tpu.memref_squeeze %dma_wait3A_48 : memref<1x64x128xf32, #tpu.memory_space<hbm>> -> memref<64x128xf32, #tpu.memory_space<hbm>>
      %dma_wait3A_50 = arith.constant 0 : i32
      %dma_wait3A_51 = arith.constant 0 : i32
      %dma_wait3A_52 = tpu.memref_slice %arg4[%add3A_28, %dma_wait3A_50, %dma_wait3A_51] : memref<384x64x128xf32, #tpu.memory_space<hbm>> -> memref<1x64x128xf32, #tpu.memory_space<hbm>>
      %dma_wait3A_53 = tpu.memref_squeeze %dma_wait3A_52 : memref<1x64x128xf32, #tpu.memory_space<hbm>> -> memref<64x128xf32, #tpu.memory_space<hbm>>
      tpu.wait_dma2 semaphore(%run_scoped3A : memref<!tpu.dma_semaphore, #tpu.memory_space<semaphore_mem>>) src(%arg6 : memref<64x128xf32, #tpu.memory_space<vmem>>) dst(%dma_wait3A_53 : memref<64x128xf32, #tpu.memory_space<hbm>>)
      tpu.yield
    }) : () -> ()
    %dma_wait3A_29 = arith.constant 11 : i32
    %dma_wait3A_30 = arith.constant 0 : i32
    %dma_wait3A_31 = tpu.memref_slice %arg5[%dma_wait3A_29, %dma_wait3A_30] : memref<12x64xi32, #tpu.memory_space<vmem>> -> memref<1x64xi32, #tpu.memory_space<vmem>>
    %dma_wait3A_32 = tpu.memref_squeeze %dma_wait3A_31 : memref<1x64xi32, #tpu.memory_space<vmem>> -> memref<64xi32, #tpu.memory_space<vmem>>
    %dma_wait3A_33 = arith.constant 0 : i32
    %dma_wait3A_34 = arith.constant 0 : i32
    %dma_wait3A_35 = tpu.memref_slice %arg3[%dma_wait3A_33, %dma_wait3A_34] : memref<1000x128xf32, #tpu.memory_space<hbm>> -> memref<1000x128xf32, #tpu.memory_space<hbm>>
    tpu.wait_indirect_dma semaphore(%arg9 : memref<!tpu.dma_semaphore, #tpu.memory_space<semaphore_mem>>) src(%dma_wait3A_35 : memref<1000x128xf32, #tpu.memory_space<hbm>>) dst(%arg7 : memref<64x128xf32, #tpu.memory_space<vmem>>)
    %add3A_36 = arith.constant 11 : i32
    %add3A_37 = arith.addi %mul3A_2, %add3A_36 : i32
    "tpu.region"() ({
      %run_scoped3A = tpu.sem_alloc : memref<!tpu.dma_semaphore, #tpu.memory_space<semaphore_mem>>
      %dma_start3A_38 = arith.constant 0 : i32
      %dma_start3A_39 = arith.constant 0 : i32
      %dma_start3A_40 = tpu.memref_slice %arg4[%add3A_37, %dma_start3A_38, %dma_start3A_39] : memref<384x64x128xf32, #tpu.memory_space<hbm>> -> memref<1x64x128xf32, #tpu.memory_space<hbm>>
      %dma_start3A_41 = tpu.memref_squeeze %dma_start3A_40 : memref<1x64x128xf32, #tpu.memory_space<hbm>> -> memref<64x128xf32, #tpu.memory_space<hbm>>
      %dma_start3A_42 = arith.constant 0 : i32
      %dma_start3A_43 = arith.constant 0 : i32
      %dma_start3A_44 = tpu.memref_slice %arg4[%add3A_37, %dma_start3A_42, %dma_start3A_43] : memref<384x64x128xf32, #tpu.memory_space<hbm>> -> memref<1x64x128xf32, #tpu.memory_space<hbm>>
      %dma_start3A_45 = tpu.memref_squeeze %dma_start3A_44 : memref<1x64x128xf32, #tpu.memory_space<hbm>> -> memref<64x128xf32, #tpu.memory_space<hbm>>
      tpu.enqueue_dma source(%arg7 : memref<64x128xf32, #tpu.memory_space<vmem>>) target(%dma_start3A_45 : memref<64x128xf32, #tpu.memory_space<hbm>>) target_semaphore(%run_scoped3A : memref<!tpu.dma_semaphore, #tpu.memory_space<semaphore_mem>>)
      %dma_wait3A_46 = arith.constant 0 : i32
      %dma_wait3A_47 = arith.constant 0 : i32
      %dma_wait3A_48 = tpu.memref_slice %arg4[%add3A_37, %dma_wait3A_46, %dma_wait3A_47] : memref<384x64x128xf32, #tpu.memory_space<hbm>> -> memref<1x64x128xf32, #tpu.memory_space<hbm>>
      %dma_wait3A_49 = tpu.memref_squeeze %dma_wait3A_48 : memref<1x64x128xf32, #tpu.memory_space<hbm>> -> memref<64x128xf32, #tpu.memory_space<hbm>>
      %dma_wait3A_50 = arith.constant 0 : i32
      %dma_wait3A_51 = arith.constant 0 : i32
      %dma_wait3A_52 = tpu.memref_slice %arg4[%add3A_37, %dma_wait3A_50, %dma_wait3A_51] : memref<384x64x128xf32, #tpu.memory_space<hbm>> -> memref<1x64x128xf32, #tpu.memory_space<hbm>>
      %dma_wait3A_53 = tpu.memref_squeeze %dma_wait3A_52 : memref<1x64x128xf32, #tpu.memory_space<hbm>> -> memref<64x128xf32, #tpu.memory_space<hbm>>
      tpu.wait_dma2 semaphore(%run_scoped3A : memref<!tpu.dma_semaphore, #tpu.memory_space<semaphore_mem>>) src(%arg7 : memref<64x128xf32, #tpu.memory_space<vmem>>) dst(%dma_wait3A_53 : memref<64x128xf32, #tpu.memory_space<hbm>>)
      tpu.yield
    }) : () -> ()
    return
  }
}

#map = affine_map<(d0, d1) -> (0, 0, 0)>
#map1 = affine_map<(d0, d1) -> (0, 0)>
module attributes {stable_mosaic.version = 14 : i64} {
  func.func @gather(%arg0: i32, %arg1: i32, %arg2: memref<32x13x64xi32, #tpu.memory_space<hbm>>, %arg3: memref<1000x128xf32, #tpu.memory_space<hbm>>, %arg4: memref<416x64x128xf32, #tpu.memory_space<hbm>>, %arg5: memref<13x64xi32, #tpu.memory_space<vmem>>, %arg6: memref<64x128xf32, #tpu.memory_space<vmem>>, %arg7: memref<64x128xf32, #tpu.memory_space<vmem>>, %arg8: memref<!tpu.dma_semaphore, #tpu.memory_space<semaphore_mem>>, %arg9: memref<!tpu.dma_semaphore, #tpu.memory_space<semaphore_mem>>) attributes {dimension_semantics = [#tpu.dimension_semantics<core_parallel>, #tpu.dimension_semantics<subcore_parallel>], iteration_bounds = array<i64: 2, 16>, scalar_prefetch = 0 : i64, scratch_operands = 5 : i64, tpu.core_type = #tpu.core_type<sc_vector_subcore>, window_params = [{transform_indices = #map}, {transform_indices = #map1}, {transform_indices = #map}]} {
    %mul3A = arith.constant 2 : i32
    %mul3A_0 = arith.muli %arg1, %mul3A : i32
    %add3A = arith.addi %mul3A_0, %arg0 : i32
    %mul3A_1 = arith.constant 13 : i32
    %mul3A_2 = arith.muli %add3A, %mul3A_1 : i32
    "tpu.region"() ({
      %run_scoped3A = tpu.sem_alloc : memref<!tpu.dma_semaphore, #tpu.memory_space<semaphore_mem>>
      %dma_start3A_54 = arith.constant 0 : i32
      %dma_start3A_55 = arith.constant 0 : i32
      %dma_start3A_56 = tpu.memref_slice %arg2[%add3A, %dma_start3A_54, %dma_start3A_55] : memref<32x13x64xi32, #tpu.memory_space<hbm>> -> memref<1x13x64xi32, #tpu.memory_space<hbm>>
      %dma_start3A_57 = tpu.memref_squeeze %dma_start3A_56 : memref<1x13x64xi32, #tpu.memory_space<hbm>> -> memref<13x64xi32, #tpu.memory_space<hbm>>
      %dma_start3A_58 = arith.constant 0 : i32
      %dma_start3A_59 = arith.constant 0 : i32
      %dma_start3A_60 = tpu.memref_slice %arg2[%add3A, %dma_start3A_58, %dma_start3A_59] : memref<32x13x64xi32, #tpu.memory_space<hbm>> -> memref<1x13x64xi32, #tpu.memory_space<hbm>>
      %dma_start3A_61 = tpu.memref_squeeze %dma_start3A_60 : memref<1x13x64xi32, #tpu.memory_space<hbm>> -> memref<13x64xi32, #tpu.memory_space<hbm>>
      tpu.enqueue_dma source(%dma_start3A_61 : memref<13x64xi32, #tpu.memory_space<hbm>>) target(%arg5 : memref<13x64xi32, #tpu.memory_space<vmem>>) target_semaphore(%run_scoped3A : memref<!tpu.dma_semaphore, #tpu.memory_space<semaphore_mem>>)
      %dma_wait3A_62 = arith.constant 0 : i32
      %dma_wait3A_63 = arith.constant 0 : i32
      %dma_wait3A_64 = tpu.memref_slice %arg2[%add3A, %dma_wait3A_62, %dma_wait3A_63] : memref<32x13x64xi32, #tpu.memory_space<hbm>> -> memref<1x13x64xi32, #tpu.memory_space<hbm>>
      %dma_wait3A_65 = tpu.memref_squeeze %dma_wait3A_64 : memref<1x13x64xi32, #tpu.memory_space<hbm>> -> memref<13x64xi32, #tpu.memory_space<hbm>>
      %dma_wait3A_66 = arith.constant 0 : i32
      %dma_wait3A_67 = arith.constant 0 : i32
      %dma_wait3A_68 = tpu.memref_slice %arg2[%add3A, %dma_wait3A_66, %dma_wait3A_67] : memref<32x13x64xi32, #tpu.memory_space<hbm>> -> memref<1x13x64xi32, #tpu.memory_space<hbm>>
      %dma_wait3A_69 = tpu.memref_squeeze %dma_wait3A_68 : memref<1x13x64xi32, #tpu.memory_space<hbm>> -> memref<13x64xi32, #tpu.memory_space<hbm>>
      tpu.wait_dma2 semaphore(%run_scoped3A : memref<!tpu.dma_semaphore, #tpu.memory_space<semaphore_mem>>) src(%dma_wait3A_69 : memref<13x64xi32, #tpu.memory_space<hbm>>) dst(%arg5 : memref<13x64xi32, #tpu.memory_space<vmem>>)
      tpu.yield
    }) : () -> ()
    %dma_start3A = arith.constant 0 : i32
    %dma_start3A_3 = arith.constant 0 : i32
    %dma_start3A_4 = tpu.memref_slice %arg5[%dma_start3A, %dma_start3A_3] : memref<13x64xi32, #tpu.memory_space<vmem>> -> memref<1x64xi32, #tpu.memory_space<vmem>>
    %dma_start3A_5 = tpu.memref_squeeze %dma_start3A_4 : memref<1x64xi32, #tpu.memory_space<vmem>> -> memref<64xi32, #tpu.memory_space<vmem>>
    %dma_start3A_6 = arith.constant 0 : i32
    %dma_start3A_7 = arith.constant 0 : i32
    %dma_start3A_8 = tpu.memref_slice %arg3[%dma_start3A_6, %dma_start3A_7] : memref<1000x128xf32, #tpu.memory_space<hbm>> -> memref<1000x128xf32, #tpu.memory_space<hbm>>
    tpu.enqueue_indirect_dma source(%dma_start3A_8 : memref<1000x128xf32, #tpu.memory_space<hbm>>) target(%arg6 : memref<64x128xf32, #tpu.memory_space<vmem>>) offsets(%dma_start3A_5 : memref<64xi32, #tpu.memory_space<vmem>>) semaphore(%arg8 : memref<!tpu.dma_semaphore, #tpu.memory_space<semaphore_mem>>)
    %scan3A = arith.constant 0 : i32
    %scan3A_9 = arith.constant 0 : i32
    %scan3A_10 = arith.constant 5 : i32
    %scan3A_11 = arith.addi %scan3A_9, %scan3A_10 : i32
    %scan3A_12 = arith.constant 1 : i32
    scf.for %scan3A_54 = %scan3A_9 to %scan3A_11 step %scan3A_12  : i32 {
      %mul3A_55 = arith.constant 2 : i32
      %mul3A_56 = arith.muli %mul3A_55, %scan3A_54 : i32
      %add3A_57 = arith.constant 1 : i32
      %add3A_58 = arith.addi %mul3A_56, %add3A_57 : i32
      %dma_start3A_59 = arith.constant 0 : i32
      %dma_start3A_60 = tpu.memref_slice %arg5[%add3A_58, %dma_start3A_59] : memref<13x64xi32, #tpu.memory_space<vmem>> -> memref<1x64xi32, #tpu.memory_space<vmem>>
      %dma_start3A_61 = tpu.memref_squeeze %dma_start3A_60 : memref<1x64xi32, #tpu.memory_space<vmem>> -> memref<64xi32, #tpu.memory_space<vmem>>
      %dma_start3A_62 = arith.constant 0 : i32
      %dma_start3A_63 = arith.constant 0 : i32
      %dma_start3A_64 = tpu.memref_slice %arg3[%dma_start3A_62, %dma_start3A_63] : memref<1000x128xf32, #tpu.memory_space<hbm>> -> memref<1000x128xf32, #tpu.memory_space<hbm>>
      tpu.enqueue_indirect_dma source(%dma_start3A_64 : memref<1000x128xf32, #tpu.memory_space<hbm>>) target(%arg7 : memref<64x128xf32, #tpu.memory_space<vmem>>) offsets(%dma_start3A_61 : memref<64xi32, #tpu.memory_space<vmem>>) semaphore(%arg9 : memref<!tpu.dma_semaphore, #tpu.memory_space<semaphore_mem>>)
      %dma_wait3A_65 = arith.constant 0 : i32
      %dma_wait3A_66 = tpu.memref_slice %arg5[%mul3A_56, %dma_wait3A_65] : memref<13x64xi32, #tpu.memory_space<vmem>> -> memref<1x64xi32, #tpu.memory_space<vmem>>
      %dma_wait3A_67 = tpu.memref_squeeze %dma_wait3A_66 : memref<1x64xi32, #tpu.memory_space<vmem>> -> memref<64xi32, #tpu.memory_space<vmem>>
      %dma_wait3A_68 = arith.constant 0 : i32
      %dma_wait3A_69 = arith.constant 0 : i32
      %dma_wait3A_70 = tpu.memref_slice %arg3[%dma_wait3A_68, %dma_wait3A_69] : memref<1000x128xf32, #tpu.memory_space<hbm>> -> memref<1000x128xf32, #tpu.memory_space<hbm>>
      tpu.wait_indirect_dma semaphore(%arg8 : memref<!tpu.dma_semaphore, #tpu.memory_space<semaphore_mem>>) src(%dma_wait3A_70 : memref<1000x128xf32, #tpu.memory_space<hbm>>) dst(%arg6 : memref<64x128xf32, #tpu.memory_space<vmem>>)
      %add3A_71 = arith.addi %mul3A_2, %mul3A_56 : i32
      "tpu.region"() ({
        %run_scoped3A = tpu.sem_alloc : memref<!tpu.dma_semaphore, #tpu.memory_space<semaphore_mem>>
        %dma_start3A_91 = arith.constant 0 : i32
        %dma_start3A_92 = arith.constant 0 : i32
        %dma_start3A_93 = tpu.memref_slice %arg4[%add3A_71, %dma_start3A_91, %dma_start3A_92] : memref<416x64x128xf32, #tpu.memory_space<hbm>> -> memref<1x64x128xf32, #tpu.memory_space<hbm>>
        %dma_start3A_94 = tpu.memref_squeeze %dma_start3A_93 : memref<1x64x128xf32, #tpu.memory_space<hbm>> -> memref<64x128xf32, #tpu.memory_space<hbm>>
        %dma_start3A_95 = arith.constant 0 : i32
        %dma_start3A_96 = arith.constant 0 : i32
        %dma_start3A_97 = tpu.memref_slice %arg4[%add3A_71, %dma_start3A_95, %dma_start3A_96] : memref<416x64x128xf32, #tpu.memory_space<hbm>> -> memref<1x64x128xf32, #tpu.memory_space<hbm>>
        %dma_start3A_98 = tpu.memref_squeeze %dma_start3A_97 : memref<1x64x128xf32, #tpu.memory_space<hbm>> -> memref<64x128xf32, #tpu.memory_space<hbm>>
        tpu.enqueue_dma source(%arg6 : memref<64x128xf32, #tpu.memory_space<vmem>>) target(%dma_start3A_98 : memref<64x128xf32, #tpu.memory_space<hbm>>) target_semaphore(%run_scoped3A : memref<!tpu.dma_semaphore, #tpu.memory_space<semaphore_mem>>)
        %dma_wait3A_99 = arith.constant 0 : i32
        %dma_wait3A_100 = arith.constant 0 : i32
        %dma_wait3A_101 = tpu.memref_slice %arg4[%add3A_71, %dma_wait3A_99, %dma_wait3A_100] : memref<416x64x128xf32, #tpu.memory_space<hbm>> -> memref<1x64x128xf32, #tpu.memory_space<hbm>>
        %dma_wait3A_102 = tpu.memref_squeeze %dma_wait3A_101 : memref<1x64x128xf32, #tpu.memory_space<hbm>> -> memref<64x128xf32, #tpu.memory_space<hbm>>
        %dma_wait3A_103 = arith.constant 0 : i32
        %dma_wait3A_104 = arith.constant 0 : i32
        %dma_wait3A_105 = tpu.memref_slice %arg4[%add3A_71, %dma_wait3A_103, %dma_wait3A_104] : memref<416x64x128xf32, #tpu.memory_space<hbm>> -> memref<1x64x128xf32, #tpu.memory_space<hbm>>
        %dma_wait3A_106 = tpu.memref_squeeze %dma_wait3A_105 : memref<1x64x128xf32, #tpu.memory_space<hbm>> -> memref<64x128xf32, #tpu.memory_space<hbm>>
        tpu.wait_dma2 semaphore(%run_scoped3A : memref<!tpu.dma_semaphore, #tpu.memory_space<semaphore_mem>>) src(%arg6 : memref<64x128xf32, #tpu.memory_space<vmem>>) dst(%dma_wait3A_106 : memref<64x128xf32, #tpu.memory_space<hbm>>)
        tpu.yield
      }) : () -> ()
      %add3A_72 = arith.constant 2 : i32
      %add3A_73 = arith.addi %mul3A_56, %add3A_72 : i32
      %dma_start3A_74 = arith.constant 0 : i32
      %dma_start3A_75 = tpu.memref_slice %arg5[%add3A_73, %dma_start3A_74] : memref<13x64xi32, #tpu.memory_space<vmem>> -> memref<1x64xi32, #tpu.memory_space<vmem>>
      %dma_start3A_76 = tpu.memref_squeeze %dma_start3A_75 : memref<1x64xi32, #tpu.memory_space<vmem>> -> memref<64xi32, #tpu.memory_space<vmem>>
      %dma_start3A_77 = arith.constant 0 : i32
      %dma_start3A_78 = arith.constant 0 : i32
      %dma_start3A_79 = tpu.memref_slice %arg3[%dma_start3A_77, %dma_start3A_78] : memref<1000x128xf32, #tpu.memory_space<hbm>> -> memref<1000x128xf32, #tpu.memory_space<hbm>>
      tpu.enqueue_indirect_dma source(%dma_start3A_79 : memref<1000x128xf32, #tpu.memory_space<hbm>>) target(%arg6 : memref<64x128xf32, #tpu.memory_space<vmem>>) offsets(%dma_start3A_76 : memref<64xi32, #tpu.memory_space<vmem>>) semaphore(%arg8 : memref<!tpu.dma_semaphore, #tpu.memory_space<semaphore_mem>>)
      %add3A_80 = arith.constant 1 : i32
      %add3A_81 = arith.addi %mul3A_56, %add3A_80 : i32
      %dma_wait3A_82 = arith.constant 0 : i32
      %dma_wait3A_83 = tpu.memref_slice %arg5[%add3A_81, %dma_wait3A_82] : memref<13x64xi32, #tpu.memory_space<vmem>> -> memref<1x64xi32, #tpu.memory_space<vmem>>
      %dma_wait3A_84 = tpu.memref_squeeze %dma_wait3A_83 : memref<1x64xi32, #tpu.memory_space<vmem>> -> memref<64xi32, #tpu.memory_space<vmem>>
      %dma_wait3A_85 = arith.constant 0 : i32
      %dma_wait3A_86 = arith.constant 0 : i32
      %dma_wait3A_87 = tpu.memref_slice %arg3[%dma_wait3A_85, %dma_wait3A_86] : memref<1000x128xf32, #tpu.memory_space<hbm>> -> memref<1000x128xf32, #tpu.memory_space<hbm>>
      tpu.wait_indirect_dma semaphore(%arg9 : memref<!tpu.dma_semaphore, #tpu.memory_space<semaphore_mem>>) src(%dma_wait3A_87 : memref<1000x128xf32, #tpu.memory_space<hbm>>) dst(%arg7 : memref<64x128xf32, #tpu.memory_space<vmem>>)
      %add3A_88 = arith.constant 1 : i32
      %add3A_89 = arith.addi %mul3A_56, %add3A_88 : i32
      %add3A_90 = arith.addi %mul3A_2, %add3A_89 : i32
      "tpu.region"() ({
        %run_scoped3A = tpu.sem_alloc : memref<!tpu.dma_semaphore, #tpu.memory_space<semaphore_mem>>
        %dma_start3A_91 = arith.constant 0 : i32
        %dma_start3A_92 = arith.constant 0 : i32
        %dma_start3A_93 = tpu.memref_slice %arg4[%add3A_90, %dma_start3A_91, %dma_start3A_92] : memref<416x64x128xf32, #tpu.memory_space<hbm>> -> memref<1x64x128xf32, #tpu.memory_space<hbm>>
        %dma_start3A_94 = tpu.memref_squeeze %dma_start3A_93 : memref<1x64x128xf32, #tpu.memory_space<hbm>> -> memref<64x128xf32, #tpu.memory_space<hbm>>
        %dma_start3A_95 = arith.constant 0 : i32
        %dma_start3A_96 = arith.constant 0 : i32
        %dma_start3A_97 = tpu.memref_slice %arg4[%add3A_90, %dma_start3A_95, %dma_start3A_96] : memref<416x64x128xf32, #tpu.memory_space<hbm>> -> memref<1x64x128xf32, #tpu.memory_space<hbm>>
        %dma_start3A_98 = tpu.memref_squeeze %dma_start3A_97 : memref<1x64x128xf32, #tpu.memory_space<hbm>> -> memref<64x128xf32, #tpu.memory_space<hbm>>
        tpu.enqueue_dma source(%arg7 : memref<64x128xf32, #tpu.memory_space<vmem>>) target(%dma_start3A_98 : memref<64x128xf32, #tpu.memory_space<hbm>>) target_semaphore(%run_scoped3A : memref<!tpu.dma_semaphore, #tpu.memory_space<semaphore_mem>>)
        %dma_wait3A_99 = arith.constant 0 : i32
        %dma_wait3A_100 = arith.constant 0 : i32
        %dma_wait3A_101 = tpu.memref_slice %arg4[%add3A_90, %dma_wait3A_99, %dma_wait3A_100] : memref<416x64x128xf32, #tpu.memory_space<hbm>> -> memref<1x64x128xf32, #tpu.memory_space<hbm>>
        %dma_wait3A_102 = tpu.memref_squeeze %dma_wait3A_101 : memref<1x64x128xf32, #tpu.memory_space<hbm>> -> memref<64x128xf32, #tpu.memory_space<hbm>>
        %dma_wait3A_103 = arith.constant 0 : i32
        %dma_wait3A_104 = arith.constant 0 : i32
        %dma_wait3A_105 = tpu.memref_slice %arg4[%add3A_90, %dma_wait3A_103, %dma_wait3A_104] : memref<416x64x128xf32, #tpu.memory_space<hbm>> -> memref<1x64x128xf32, #tpu.memory_space<hbm>>
        %dma_wait3A_106 = tpu.memref_squeeze %dma_wait3A_105 : memref<1x64x128xf32, #tpu.memory_space<hbm>> -> memref<64x128xf32, #tpu.memory_space<hbm>>
        tpu.wait_dma2 semaphore(%run_scoped3A : memref<!tpu.dma_semaphore, #tpu.memory_space<semaphore_mem>>) src(%arg7 : memref<64x128xf32, #tpu.memory_space<vmem>>) dst(%dma_wait3A_106 : memref<64x128xf32, #tpu.memory_space<hbm>>)
        tpu.yield
      }) : () -> ()
    }
    %scan3A_13 = arith.constant 5 : i32
    %dma_start3A_14 = arith.constant 11 : i32
    %dma_start3A_15 = arith.constant 0 : i32
    %dma_start3A_16 = tpu.memref_slice %arg5[%dma_start3A_14, %dma_start3A_15] : memref<13x64xi32, #tpu.memory_space<vmem>> -> memref<1x64xi32, #tpu.memory_space<vmem>>
    %dma_start3A_17 = tpu.memref_squeeze %dma_start3A_16 : memref<1x64xi32, #tpu.memory_space<vmem>> -> memref<64xi32, #tpu.memory_space<vmem>>
    %dma_start3A_18 = arith.constant 0 : i32
    %dma_start3A_19 = arith.constant 0 : i32
    %dma_start3A_20 = tpu.memref_slice %arg3[%dma_start3A_18, %dma_start3A_19] : memref<1000x128xf32, #tpu.memory_space<hbm>> -> memref<1000x128xf32, #tpu.memory_space<hbm>>
    tpu.enqueue_indirect_dma source(%dma_start3A_20 : memref<1000x128xf32, #tpu.memory_space<hbm>>) target(%arg7 : memref<64x128xf32, #tpu.memory_space<vmem>>) offsets(%dma_start3A_17 : memref<64xi32, #tpu.memory_space<vmem>>) semaphore(%arg9 : memref<!tpu.dma_semaphore, #tpu.memory_space<semaphore_mem>>)
    %dma_wait3A = arith.constant 10 : i32
    %dma_wait3A_21 = arith.constant 0 : i32
    %dma_wait3A_22 = tpu.memref_slice %arg5[%dma_wait3A, %dma_wait3A_21] : memref<13x64xi32, #tpu.memory_space<vmem>> -> memref<1x64xi32, #tpu.memory_space<vmem>>
    %dma_wait3A_23 = tpu.memref_squeeze %dma_wait3A_22 : memref<1x64xi32, #tpu.memory_space<vmem>> -> memref<64xi32, #tpu.memory_space<vmem>>
    %dma_wait3A_24 = arith.constant 0 : i32
    %dma_wait3A_25 = arith.constant 0 : i32
    %dma_wait3A_26 = tpu.memref_slice %arg3[%dma_wait3A_24, %dma_wait3A_25] : memref<1000x128xf32, #tpu.memory_space<hbm>> -> memref<1000x128xf32, #tpu.memory_space<hbm>>
    tpu.wait_indirect_dma semaphore(%arg8 : memref<!tpu.dma_semaphore, #tpu.memory_space<semaphore_mem>>) src(%dma_wait3A_26 : memref<1000x128xf32, #tpu.memory_space<hbm>>) dst(%arg6 : memref<64x128xf32, #tpu.memory_space<vmem>>)
    %add3A_27 = arith.constant 10 : i32
    %add3A_28 = arith.addi %mul3A_2, %add3A_27 : i32
    "tpu.region"() ({
      %run_scoped3A = tpu.sem_alloc : memref<!tpu.dma_semaphore, #tpu.memory_space<semaphore_mem>>
      %dma_start3A_54 = arith.constant 0 : i32
      %dma_start3A_55 = arith.constant 0 : i32
      %dma_start3A_56 = tpu.memref_slice %arg4[%add3A_28, %dma_start3A_54, %dma_start3A_55] : memref<416x64x128xf32, #tpu.memory_space<hbm>> -> memref<1x64x128xf32, #tpu.memory_space<hbm>>
      %dma_start3A_57 = tpu.memref_squeeze %dma_start3A_56 : memref<1x64x128xf32, #tpu.memory_space<hbm>> -> memref<64x128xf32, #tpu.memory_space<hbm>>
      %dma_start3A_58 = arith.constant 0 : i32
      %dma_start3A_59 = arith.constant 0 : i32
      %dma_start3A_60 = tpu.memref_slice %arg4[%add3A_28, %dma_start3A_58, %dma_start3A_59] : memref<416x64x128xf32, #tpu.memory_space<hbm>> -> memref<1x64x128xf32, #tpu.memory_space<hbm>>
      %dma_start3A_61 = tpu.memref_squeeze %dma_start3A_60 : memref<1x64x128xf32, #tpu.memory_space<hbm>> -> memref<64x128xf32, #tpu.memory_space<hbm>>
      tpu.enqueue_dma source(%arg6 : memref<64x128xf32, #tpu.memory_space<vmem>>) target(%dma_start3A_61 : memref<64x128xf32, #tpu.memory_space<hbm>>) target_semaphore(%run_scoped3A : memref<!tpu.dma_semaphore, #tpu.memory_space<semaphore_mem>>)
      %dma_wait3A_62 = arith.constant 0 : i32
      %dma_wait3A_63 = arith.constant 0 : i32
      %dma_wait3A_64 = tpu.memref_slice %arg4[%add3A_28, %dma_wait3A_62, %dma_wait3A_63] : memref<416x64x128xf32, #tpu.memory_space<hbm>> -> memref<1x64x128xf32, #tpu.memory_space<hbm>>
      %dma_wait3A_65 = tpu.memref_squeeze %dma_wait3A_64 : memref<1x64x128xf32, #tpu.memory_space<hbm>> -> memref<64x128xf32, #tpu.memory_space<hbm>>
      %dma_wait3A_66 = arith.constant 0 : i32
      %dma_wait3A_67 = arith.constant 0 : i32
      %dma_wait3A_68 = tpu.memref_slice %arg4[%add3A_28, %dma_wait3A_66, %dma_wait3A_67] : memref<416x64x128xf32, #tpu.memory_space<hbm>> -> memref<1x64x128xf32, #tpu.memory_space<hbm>>
      %dma_wait3A_69 = tpu.memref_squeeze %dma_wait3A_68 : memref<1x64x128xf32, #tpu.memory_space<hbm>> -> memref<64x128xf32, #tpu.memory_space<hbm>>
      tpu.wait_dma2 semaphore(%run_scoped3A : memref<!tpu.dma_semaphore, #tpu.memory_space<semaphore_mem>>) src(%arg6 : memref<64x128xf32, #tpu.memory_space<vmem>>) dst(%dma_wait3A_69 : memref<64x128xf32, #tpu.memory_space<hbm>>)
      tpu.yield
    }) : () -> ()
    %dma_start3A_29 = arith.constant 12 : i32
    %dma_start3A_30 = arith.constant 0 : i32
    %dma_start3A_31 = tpu.memref_slice %arg5[%dma_start3A_29, %dma_start3A_30] : memref<13x64xi32, #tpu.memory_space<vmem>> -> memref<1x64xi32, #tpu.memory_space<vmem>>
    %dma_start3A_32 = tpu.memref_squeeze %dma_start3A_31 : memref<1x64xi32, #tpu.memory_space<vmem>> -> memref<64xi32, #tpu.memory_space<vmem>>
    %dma_start3A_33 = arith.constant 0 : i32
    %dma_start3A_34 = arith.constant 0 : i32
    %dma_start3A_35 = tpu.memref_slice %arg3[%dma_start3A_33, %dma_start3A_34] : memref<1000x128xf32, #tpu.memory_space<hbm>> -> memref<1000x128xf32, #tpu.memory_space<hbm>>
    tpu.enqueue_indirect_dma source(%dma_start3A_35 : memref<1000x128xf32, #tpu.memory_space<hbm>>) target(%arg6 : memref<64x128xf32, #tpu.memory_space<vmem>>) offsets(%dma_start3A_32 : memref<64xi32, #tpu.memory_space<vmem>>) semaphore(%arg8 : memref<!tpu.dma_semaphore, #tpu.memory_space<semaphore_mem>>)
    %dma_wait3A_36 = arith.constant 11 : i32
    %dma_wait3A_37 = arith.constant 0 : i32
    %dma_wait3A_38 = tpu.memref_slice %arg5[%dma_wait3A_36, %dma_wait3A_37] : memref<13x64xi32, #tpu.memory_space<vmem>> -> memref<1x64xi32, #tpu.memory_space<vmem>>
    %dma_wait3A_39 = tpu.memref_squeeze %dma_wait3A_38 : memref<1x64xi32, #tpu.memory_space<vmem>> -> memref<64xi32, #tpu.memory_space<vmem>>
    %dma_wait3A_40 = arith.constant 0 : i32
    %dma_wait3A_41 = arith.constant 0 : i32
    %dma_wait3A_42 = tpu.memref_slice %arg3[%dma_wait3A_40, %dma_wait3A_41] : memref<1000x128xf32, #tpu.memory_space<hbm>> -> memref<1000x128xf32, #tpu.memory_space<hbm>>
    tpu.wait_indirect_dma semaphore(%arg9 : memref<!tpu.dma_semaphore, #tpu.memory_space<semaphore_mem>>) src(%dma_wait3A_42 : memref<1000x128xf32, #tpu.memory_space<hbm>>) dst(%arg7 : memref<64x128xf32, #tpu.memory_space<vmem>>)
    %add3A_43 = arith.constant 11 : i32
    %add3A_44 = arith.addi %mul3A_2, %add3A_43 : i32
    "tpu.region"() ({
      %run_scoped3A = tpu.sem_alloc : memref<!tpu.dma_semaphore, #tpu.memory_space<semaphore_mem>>
      %dma_start3A_54 = arith.constant 0 : i32
      %dma_start3A_55 = arith.constant 0 : i32
      %dma_start3A_56 = tpu.memref_slice %arg4[%add3A_44, %dma_start3A_54, %dma_start3A_55] : memref<416x64x128xf32, #tpu.memory_space<hbm>> -> memref<1x64x128xf32, #tpu.memory_space<hbm>>
      %dma_start3A_57 = tpu.memref_squeeze %dma_start3A_56 : memref<1x64x128xf32, #tpu.memory_space<hbm>> -> memref<64x128xf32, #tpu.memory_space<hbm>>
      %dma_start3A_58 = arith.constant 0 : i32
      %dma_start3A_59 = arith.constant 0 : i32
      %dma_start3A_60 = tpu.memref_slice %arg4[%add3A_44, %dma_start3A_58, %dma_start3A_59] : memref<416x64x128xf32, #tpu.memory_space<hbm>> -> memref<1x64x128xf32, #tpu.memory_space<hbm>>
      %dma_start3A_61 = tpu.memref_squeeze %dma_start3A_60 : memref<1x64x128xf32, #tpu.memory_space<hbm>> -> memref<64x128xf32, #tpu.memory_space<hbm>>
      tpu.enqueue_dma source(%arg7 : memref<64x128xf32, #tpu.memory_space<vmem>>) target(%dma_start3A_61 : memref<64x128xf32, #tpu.memory_space<hbm>>) target_semaphore(%run_scoped3A : memref<!tpu.dma_semaphore, #tpu.memory_space<semaphore_mem>>)
      %dma_wait3A_62 = arith.constant 0 : i32
      %dma_wait3A_63 = arith.constant 0 : i32
      %dma_wait3A_64 = tpu.memref_slice %arg4[%add3A_44, %dma_wait3A_62, %dma_wait3A_63] : memref<416x64x128xf32, #tpu.memory_space<hbm>> -> memref<1x64x128xf32, #tpu.memory_space<hbm>>
      %dma_wait3A_65 = tpu.memref_squeeze %dma_wait3A_64 : memref<1x64x128xf32, #tpu.memory_space<hbm>> -> memref<64x128xf32, #tpu.memory_space<hbm>>
      %dma_wait3A_66 = arith.constant 0 : i32
      %dma_wait3A_67 = arith.constant 0 : i32
      %dma_wait3A_68 = tpu.memref_slice %arg4[%add3A_44, %dma_wait3A_66, %dma_wait3A_67] : memref<416x64x128xf32, #tpu.memory_space<hbm>> -> memref<1x64x128xf32, #tpu.memory_space<hbm>>
      %dma_wait3A_69 = tpu.memref_squeeze %dma_wait3A_68 : memref<1x64x128xf32, #tpu.memory_space<hbm>> -> memref<64x128xf32, #tpu.memory_space<hbm>>
      tpu.wait_dma2 semaphore(%run_scoped3A : memref<!tpu.dma_semaphore, #tpu.memory_space<semaphore_mem>>) src(%arg7 : memref<64x128xf32, #tpu.memory_space<vmem>>) dst(%dma_wait3A_69 : memref<64x128xf32, #tpu.memory_space<hbm>>)
      tpu.yield
    }) : () -> ()
    %dma_wait3A_45 = arith.constant 12 : i32
    %dma_wait3A_46 = arith.constant 0 : i32
    %dma_wait3A_47 = tpu.memref_slice %arg5[%dma_wait3A_45, %dma_wait3A_46] : memref<13x64xi32, #tpu.memory_space<vmem>> -> memref<1x64xi32, #tpu.memory_space<vmem>>
    %dma_wait3A_48 = tpu.memref_squeeze %dma_wait3A_47 : memref<1x64xi32, #tpu.memory_space<vmem>> -> memref<64xi32, #tpu.memory_space<vmem>>
    %dma_wait3A_49 = arith.constant 0 : i32
    %dma_wait3A_50 = arith.constant 0 : i32
    %dma_wait3A_51 = tpu.memref_slice %arg3[%dma_wait3A_49, %dma_wait3A_50] : memref<1000x128xf32, #tpu.memory_space<hbm>> -> memref<1000x128xf32, #tpu.memory_space<hbm>>
    tpu.wait_indirect_dma semaphore(%arg8 : memref<!tpu.dma_semaphore, #tpu.memory_space<semaphore_mem>>) src(%dma_wait3A_51 : memref<1000x128xf32, #tpu.memory_space<hbm>>) dst(%arg6 : memref<64x128xf32, #tpu.memory_space<vmem>>)
    %add3A_52 = arith.constant 12 : i32
    %add3A_53 = arith.addi %mul3A_2, %add3A_52 : i32
    "tpu.region"() ({
      %run_scoped3A = tpu.sem_alloc : memref<!tpu.dma_semaphore, #tpu.memory_space<semaphore_mem>>
      %dma_start3A_54 = arith.constant 0 : i32
      %dma_start3A_55 = arith.constant 0 : i32
      %dma_start3A_56 = tpu.memref_slice %arg4[%add3A_53, %dma_start3A_54, %dma_start3A_55] : memref<416x64x128xf32, #tpu.memory_space<hbm>> -> memref<1x64x128xf32, #tpu.memory_space<hbm>>
      %dma_start3A_57 = tpu.memref_squeeze %dma_start3A_56 : memref<1x64x128xf32, #tpu.memory_space<hbm>> -> memref<64x128xf32, #tpu.memory_space<hbm>>
      %dma_start3A_58 = arith.constant 0 : i32
      %dma_start3A_59 = arith.constant 0 : i32
      %dma_start3A_60 = tpu.memref_slice %arg4[%add3A_53, %dma_start3A_58, %dma_start3A_59] : memref<416x64x128xf32, #tpu.memory_space<hbm>> -> memref<1x64x128xf32, #tpu.memory_space<hbm>>
      %dma_start3A_61 = tpu.memref_squeeze %dma_start3A_60 : memref<1x64x128xf32, #tpu.memory_space<hbm>> -> memref<64x128xf32, #tpu.memory_space<hbm>>
      tpu.enqueue_dma source(%arg6 : memref<64x128xf32, #tpu.memory_space<vmem>>) target(%dma_start3A_61 : memref<64x128xf32, #tpu.memory_space<hbm>>) target_semaphore(%run_scoped3A : memref<!tpu.dma_semaphore, #tpu.memory_space<semaphore_mem>>)
      %dma_wait3A_62 = arith.constant 0 : i32
      %dma_wait3A_63 = arith.constant 0 : i32
      %dma_wait3A_64 = tpu.memref_slice %arg4[%add3A_53, %dma_wait3A_62, %dma_wait3A_63] : memref<416x64x128xf32, #tpu.memory_space<hbm>> -> memref<1x64x128xf32, #tpu.memory_space<hbm>>
      %dma_wait3A_65 = tpu.memref_squeeze %dma_wait3A_64 : memref<1x64x128xf32, #tpu.memory_space<hbm>> -> memref<64x128xf32, #tpu.memory_space<hbm>>
      %dma_wait3A_66 = arith.constant 0 : i32
      %dma_wait3A_67 = arith.constant 0 : i32
      %dma_wait3A_68 = tpu.memref_slice %arg4[%add3A_53, %dma_wait3A_66, %dma_wait3A_67] : memref<416x64x128xf32, #tpu.memory_space<hbm>> -> memref<1x64x128xf32, #tpu.memory_space<hbm>>
      %dma_wait3A_69 = tpu.memref_squeeze %dma_wait3A_68 : memref<1x64x128xf32, #tpu.memory_space<hbm>> -> memref<64x128xf32, #tpu.memory_space<hbm>>
      tpu.wait_dma2 semaphore(%run_scoped3A : memref<!tpu.dma_semaphore, #tpu.memory_space<semaphore_mem>>) src(%arg6 : memref<64x128xf32, #tpu.memory_space<vmem>>) dst(%dma_wait3A_69 : memref<64x128xf32, #tpu.memory_space<hbm>>)
      tpu.yield
    }) : () -> ()
    return
  }
}

module attributes {stable_mosaic.version = 14 : i64} {
  func.func @_head1_body(%arg0: i32, %arg1: memref<16x64x128xf32, #tpu.memory_space<vmem>>, %arg2: memref<1000x128xf32, #tpu.memory_space<vmem>>, %arg3: memref<1000x1xf32, #tpu.memory_space<vmem>>, %arg4: memref<1x1000x1024xf32, #tpu.memory_space<vmem>>, %arg5: memref<1x1000x1024xf32, #tpu.memory_space<vmem>>) attributes {dimension_semantics = [#tpu.dimension_semantics<arbitrary>], iteration_bounds = array<i64: 26>, scalar_prefetch = 0 : i64, scratch_operands = 0 : i64, tpu.core_type = #tpu.core_type<tc>, window_params = [{transform_indices = @transform_0, window_bounds = array<i64: 16, 64, 128>}, {pipeline_mode = #tpu.pipeline_mode<synchronous>, transform_indices = @transform_1, window_bounds = array<i64: 1000, 128>}, {pipeline_mode = #tpu.pipeline_mode<synchronous>, transform_indices = @transform_2, window_bounds = array<i64: 1000, 1>}, {transform_indices = @transform_3, window_bounds = array<i64: 1, 1000, 1024>}, {transform_indices = @transform_4, window_bounds = array<i64: 1, 1000, 1024>}]} {
    %get3A = arith.constant 0 : index
    %get3A_0 = arith.constant 0 : index
    %get3A_1 = arith.constant 0 : index
    %get3A_2 = vector.load %arg1[%get3A, %get3A_0, %get3A_1] : memref<16x64x128xf32, #tpu.memory_space<vmem>>, vector<16x64x128xf32>
    %reshape3A = vector.shape_cast %get3A_2 : vector<16x64x128xf32> to vector<1024x128xf32>
    %get3A_3 = arith.constant 0 : index
    %get3A_4 = arith.constant 0 : index
    %get3A_5 = vector.load %arg2[%get3A_3, %get3A_4] : memref<1000x128xf32, #tpu.memory_space<vmem>>, vector<1000x128xf32>
    %dot_general3A = arith.constant dense<0.000000e+00> : vector<1000x1024xf32>
    %dot_general3A_6 = tpu.matmul %get3A_5, %reshape3A, %dot_general3A {dimension_numbers = #tpu.dot_dimension_numbers<[1], [1], [0], [0], [0, 0, 1, 0], [], []>, transpose_lhs_hint = false} : vector<1000x128xf32>, vector<1024x128xf32>, vector<1000x1024xf32> -> vector<1000x1024xf32>
    %get3A_7 = arith.constant 0 : index
    %get3A_8 = arith.constant 0 : index
    %get3A_9 = vector.load %arg3[%get3A_7, %get3A_8] : memref<1000x1xf32, #tpu.memory_space<vmem>>, vector<1000x1xf32>
    %add3A = vector.broadcast %get3A_9 : vector<1000x1xf32> to vector<1000x1024xf32>
    %add3A_10 = arith.addf %dot_general3A_6, %add3A : vector<1000x1024xf32>
    %reshape3A_11 = vector.shape_cast %add3A_10 : vector<1000x1024xf32> to vector<1x1000x1024xf32>
    %swap3A = arith.constant 0 : index
    %swap3A_12 = arith.constant 0 : index
    %swap3A_13 = arith.constant 0 : index
    %swap3A_14 = vector.load %arg5[%swap3A, %swap3A_12, %swap3A_13] : memref<1x1000x1024xf32, #tpu.memory_space<vmem>>, vector<1x1000x1024xf32>
    tpu.vector_store %arg5[%swap3A, %swap3A_12, %swap3A_13], %reshape3A_11 {strides = array<i32>} : memref<1x1000x1024xf32, #tpu.memory_space<vmem>>, vector<1x1000x1024xf32>,
    return
  }
  func.func @transform_0(%arg0: i32) -> (i32, i32, i32) {
    %c0_i32 = arith.constant 0 : i32
    %c0_i32_0 = arith.constant 0 : i32
    %c0_i32_1 = arith.constant 0 : i32
    return %arg0, %c0_i32, %c0_i32_0 : i32, i32, i32
  }
  func.func @transform_1(%arg0: i32) -> (i32, i32) {
    %c0_i32 = arith.constant 0 : i32
    %c0_i32_0 = arith.constant 0 : i32
    %c0_i32_1 = arith.constant 0 : i32
    return %c0_i32, %c0_i32_0 : i32, i32
  }
  func.func @transform_2(%arg0: i32) -> (i32, i32) {
    %c0_i32 = arith.constant 0 : i32
    %c0_i32_0 = arith.constant 0 : i32
    %c0_i32_1 = arith.constant 0 : i32
    return %c0_i32, %c0_i32_0 : i32, i32
  }
  func.func @transform_3(%arg0: i32) -> (i32, i32, i32) {
    %add3A = arith.constant 24 : i32
    %add3A_0 = arith.addi %arg0, %add3A : i32
    %c0_i32 = arith.constant 0 : i32
    %c0_i32_1 = arith.constant 0 : i32
    %c0_i32_2 = arith.constant 0 : i32
    return %add3A_0, %c0_i32, %c0_i32_1 : i32, i32, i32
  }
  func.func @transform_4(%arg0: i32) -> (i32, i32, i32) {
    %add3A = arith.constant 24 : i32
    %add3A_0 = arith.addi %arg0, %add3A : i32
    %c0_i32 = arith.constant 0 : i32
    %c0_i32_1 = arith.constant 0 : i32
    %c0_i32_2 = arith.constant 0 : i32
    return %add3A_0, %c0_i32, %c0_i32_1 : i32, i32, i32
  }
}

module attributes {stable_mosaic.version = 14 : i64} {
  func.func @_head_body(%arg0: i32, %arg1: memref<16x64x128xf32, #tpu.memory_space<vmem>>, %arg2: memref<1000x128xf32, #tpu.memory_space<vmem>>, %arg3: memref<1000x1xf32, #tpu.memory_space<vmem>>, %arg4: memref<1x1000x1024xf32, #tpu.memory_space<vmem>>) attributes {dimension_semantics = [#tpu.dimension_semantics<arbitrary>], iteration_bounds = array<i64: 24>, scalar_prefetch = 0 : i64, scratch_operands = 0 : i64, tpu.core_type = #tpu.core_type<tc>, window_params = [{transform_indices = @transform_0, window_bounds = array<i64: 16, 64, 128>}, {pipeline_mode = #tpu.pipeline_mode<synchronous>, transform_indices = @transform_1, window_bounds = array<i64: 1000, 128>}, {pipeline_mode = #tpu.pipeline_mode<synchronous>, transform_indices = @transform_2, window_bounds = array<i64: 1000, 1>}, {transform_indices = @transform_3, window_bounds = array<i64: 1, 1000, 1024>}]} {
    %get3A = arith.constant 0 : index
    %get3A_0 = arith.constant 0 : index
    %get3A_1 = arith.constant 0 : index
    %get3A_2 = vector.load %arg1[%get3A, %get3A_0, %get3A_1] : memref<16x64x128xf32, #tpu.memory_space<vmem>>, vector<16x64x128xf32>
    %reshape3A = vector.shape_cast %get3A_2 : vector<16x64x128xf32> to vector<1024x128xf32>
    %get3A_3 = arith.constant 0 : index
    %get3A_4 = arith.constant 0 : index
    %get3A_5 = vector.load %arg2[%get3A_3, %get3A_4] : memref<1000x128xf32, #tpu.memory_space<vmem>>, vector<1000x128xf32>
    %dot_general3A = arith.constant dense<0.000000e+00> : vector<1000x1024xf32>
    %dot_general3A_6 = tpu.matmul %get3A_5, %reshape3A, %dot_general3A {dimension_numbers = #tpu.dot_dimension_numbers<[1], [1], [0], [0], [0, 0, 1, 0], [], []>, transpose_lhs_hint = false} : vector<1000x128xf32>, vector<1024x128xf32>, vector<1000x1024xf32> -> vector<1000x1024xf32>
    %get3A_7 = arith.constant 0 : index
    %get3A_8 = arith.constant 0 : index
    %get3A_9 = vector.load %arg3[%get3A_7, %get3A_8] : memref<1000x1xf32, #tpu.memory_space<vmem>>, vector<1000x1xf32>
    %add3A = vector.broadcast %get3A_9 : vector<1000x1xf32> to vector<1000x1024xf32>
    %add3A_10 = arith.addf %dot_general3A_6, %add3A : vector<1000x1024xf32>
    %reshape3A_11 = vector.shape_cast %add3A_10 : vector<1000x1024xf32> to vector<1x1000x1024xf32>
    %swap3A = arith.constant 0 : index
    %swap3A_12 = arith.constant 0 : index
    %swap3A_13 = arith.constant 0 : index
    %swap3A_14 = vector.load %arg4[%swap3A, %swap3A_12, %swap3A_13] : memref<1x1000x1024xf32, #tpu.memory_space<vmem>>, vector<1x1000x1024xf32>
    tpu.vector_store %arg4[%swap3A, %swap3A_12, %swap3A_13], %reshape3A_11 {strides = array<i32>} : memref<1x1000x1024xf32, #tpu.memory_space<vmem>>, vector<1x1000x1024xf32>,
    return
  }
  func.func @transform_0(%arg0: i32) -> (i32, i32, i32) {
    %c0_i32 = arith.constant 0 : i32
    %c0_i32_0 = arith.constant 0 : i32
    %c0_i32_1 = arith.constant 0 : i32
    return %arg0, %c0_i32, %c0_i32_0 : i32, i32, i32
  }
  func.func @transform_1(%arg0: i32) -> (i32, i32) {
    %c0_i32 = arith.constant 0 : i32
    %c0_i32_0 = arith.constant 0 : i32
    %c0_i32_1 = arith.constant 0 : i32
    return %c0_i32, %c0_i32_0 : i32, i32
  }
  func.func @transform_2(%arg0: i32) -> (i32, i32) {
    %c0_i32 = arith.constant 0 : i32
    %c0_i32_0 = arith.constant 0 : i32
    %c0_i32_1 = arith.constant 0 : i32
    return %c0_i32, %c0_i32_0 : i32, i32
  }
  func.func @transform_3(%arg0: i32) -> (i32, i32, i32) {
    %c0_i32 = arith.constant 0 : i32
    %c0_i32_0 = arith.constant 0 : i32
    %c0_i32_1 = arith.constant 0 : i32
    return %arg0, %c0_i32, %c0_i32_0 : i32, i32, i32
  }
}

</mosaic_0001>

<sc_bundles>
// kernel: kernel.6.cloned.1.call-start
scs
__scs_entry_jumppad:
0x0: {  	(pc) =	sbr.rel $0x88, $3  }
0x1: {  	(tag) =	ssettag $0x0;
	lr =	simm.s32 $0x1  }
0x2: {  	[smem:$0x3F9D] =	sst lr;
	_ =	strace $0xD0000000  }
0x3: {  	_ = 	snop  }
0x4: {  	_ = 	snop  }
0x5: {  	_ = 	snop  }
0x6: {  	_ = 	snop  }
0x7: {  	_ = 	snop  }
__scs_overlays_trampoline_lowered:
0x8: {  	[smem:$0x3FAC] =	sst s0  }
0x9: {  	[smem:$0x3FAD] =	sst s1  }
0xa: {  	[smem:$0x3FAE] =	sst s2  }
0xb: {  	[smem:$0x3FAF] =	sst s3  }
0xc: {  	[smem:$0x3FB0] =	sst s4  }
0xd: {  	[smem:$0x3FB1] =	sst s5  }
0xe: {  	[smem:$0x3FB2] =	sst s6  }
0xf: {  	[smem:$0x3FB3] =	sst s7  }
0x10: {  	[smem:$0x3FB4] =	sst s8  }
0x11: {  	[smem:$0x3FB5] =	sst s9;
	s0 =	simm.s32 @!p0 $0x0  }
0x12: {  	s1 =	sld [smem:$0x3F9B];
	s0 =	simm.s32 @p0 $0x1  }
0x13: {  	[smem:$0x3FB6] =	sst s0;
	s0 =	simm.s32 @!p1 $0x0  }
0x14: {  	s2 =	sld [smem:$0x3F9A];
	s0 =	simm.s32 @p1 $0x1  }
0x15: {  	[smem:$0x3FB7] =	sst s0;
	s0 =	simm.s32 @!p2 $0x0  }
0x16: {  	s3 =	sld [smem:$0x3FDB];
	s0 =	simm.s32 @p2 $0x1  }
0x17: {  	s4 =	simm.s32 $0x1BF5;
	[smem:$0x3FB9] =	sst s0  }
0x18: {  	s0 =	sld [smem:$0x3F9C];
	_ =	swait.ge [sflag:s4], $0x0  }
0x19: {  	s7 =	sld [smem:$0x3F9D]  }
0x1a: {  	s8 =	sadd.s32 $0xFFFFE003, lr  }
0x1b: {  	s9 =	sadd.s32 $0xFFFFFEF7, lr;
	s5 =	simm.s32 $0xFFFFFFFF;
	p2 =	slt.u32 s8, $0xFFFFF086  }
0x1c: {  	p1 =	slt.u32 s9, $0xF7A;
	s5 =	simm.s32 @!p2 $0x0  }
0x1d: {  	s5 =	simm.s32 @p1 $0x1;
	p0 =	seq.s32 s7, s2  }
0x1e: {  	s7 =	smul.u32 @!p0 $0xF7A, s2;
	p2 =	seq.s32 @!p0 s5, $0x0  }
0x1f: {  	s9 =	smul.u32 $0xF7A, s1;
	s8 =	simm.s32 @!p0 $0x1BF5;
	p2 =	por !p2, p0  }
0x20: {  	[sflag:s8] =	ssyncset.s32 @!p0 $0xFFFFF086;
	s6 =	sadd.s32 @!p0 s3, s7;
	s7 =	simm.s32 @!p0 $0x108  }
0x21: {  	s3 =	sadd.s32 s3, s9;
	s6 =	sadd.s32 @!p0 $0x88, s6;
	s7 =	simm.s32 @p2 $0x1082  }
0x22: {  	[simem:s7], [sflag:s8] =	dma.local @!p0 [hbm:s6], $0xF7A  }
0x23: {  	s9 =	sor.u32 $0xD0000000, s2;
	s6 =	simm.s32 $0x108;
	_ =	swait.ge @!p0 [sflag:s8], $0x0  }
0x24: {  	s3 =	sadd.s32 $0x88, s3;
	s6 =	simm.s32 @!p1 $0x1082;
	[sflag:s4] =	ssyncset.s32 $0xFFFFF086  }
0x25: {  	[simem:s6], [sflag:s4] =	dma.local [hbm:s3], $0xF7A  }
0x26: {  	[smem:$0x3F9D] =	sst s1;
	(tag) =	ssettag s2;
	_ =	strace s9  }
0x27: {  	s1 =	sld [smem:$0x3FAD]  }
0x28: {  	s2 =	sld [smem:$0x3FAE]  }
0x29: {  	s4 =	sld [smem:$0x3FB0]  }
0x2a: {  	p0 =	seq.s32 s5, $0x0;
	s5 =	sld [smem:$0x3FB1]  }
0x2b: {  	s6 =	sld [smem:$0x3FB2]  }
0x2c: {  	s7 =	sld [smem:$0x3FB3]  }
0x2d: {  	s3 =	simm.s32 $0x108;
	s8 =	sld [smem:$0x3FB4]  }
0x2e: {  	s3 =	simm.s32 @!p0 $0x1082;
	s9 =	sld [smem:$0x3FB5]  }
0x2f: {  	lr =	sadd.s32 s0, s3;
	s0 =	sld [smem:$0x3FAC]  }
0x30: {  	s3 =	sld [smem:$0x3FAF]  }
0x31: {  	[smem:$0x3FB8] =	sst s10  }
0x32: {  	s10 =	sld [smem:$0x3FB6];
	_ =	sdelay $0x3  }
0x33: {  	p0 =	seq.s32 s10, $0x1;
	s10 =	sld [smem:$0x3FB8];
	_ =	sdelay $0x3  }
0x34: {  	[smem:$0x3FB8] =	sst s10  }
0x35: {  	s10 =	sld [smem:$0x3FB7];
	_ =	sdelay $0x3  }
0x36: {  	p1 =	seq.s32 s10, $0x1;
	s10 =	sld [smem:$0x3FB8];
	_ =	sdelay $0x3  }
0x37: {  	[smem:$0x3FB8] =	sst s10  }
0x38: {  	s10 =	sld [smem:$0x3FB9]  }
0x39: {  	_ = 	snop;
	(pc) =	sbr.ind lr, $3  }
0x3a: {  	_ = 	snop  }
0x3b: {  	_ = 	snop  }
0x3c: {  	p2 =	seq.s32 s10, $0x1;
	s10 =	sld [smem:$0x3FB8]  }
0x3d: {  	_ =	shalt  }
0x3e: {  	_ =	shalt  }
0x3f: {  	_ =	shalt  }
0x40: {  	_ =	shalt  }
0x41: {  	_ =	shalt  }
0x42: {  	_ =	shalt  }
0x43: {  	_ =	shalt  }
0x44: {  	_ =	shalt  }
0x45: {  	_ =	shalt  }
0x46: {  	_ =	shalt  }
0x47: {  	_ =	shalt  }
0x48: {  	_ =	shalt  }
0x49: {  	_ =	shalt  }
0x4a: {  	_ =	shalt  }
0x4b: {  	_ =	shalt  }
0x4c: {  	_ =	shalt  }
0x4d: {  	_ =	shalt  }
0x4e: {  	_ =	shalt  }
0x4f: {  	_ =	shalt  }
0x50: {  	_ =	shalt  }
0x51: {  	_ =	shalt  }
0x52: {  	_ =	shalt  }
0x53: {  	_ =	shalt  }
0x54: {  	_ =	shalt  }
0x55: {  	_ =	shalt  }
0x56: {  	_ =	shalt  }
0x57: {  	_ =	shalt  }
0x58: {  	_ =	shalt  }
0x59: {  	_ =	shalt  }
0x5a: {  	_ =	shalt  }
0x5b: {  	_ =	shalt  }
0x5c: {  	_ =	shalt  }
0x5d: {  	_ =	shalt  }
0x5e: {  	_ =	shalt  }
0x5f: {  	_ =	shalt  }
0x60: {  	_ =	shalt  }
0x61: {  	_ =	shalt  }
0x62: {  	_ =	shalt  }
0x63: {  	_ =	shalt  }
0x64: {  	_ =	shalt  }
0x65: {  	_ =	shalt  }
0x66: {  	_ =	shalt  }
0x67: {  	_ =	shalt  }
0x68: {  	_ =	shalt  }
0x69: {  	_ =	shalt  }
0x6a: {  	_ =	shalt  }
0x6b: {  	_ =	shalt  }
0x6c: {  	_ =	shalt  }
0x6d: {  	_ =	shalt  }
0x6e: {  	_ =	shalt  }
0x6f: {  	_ =	shalt  }
0x70: {  	_ =	shalt  }
0x71: {  	_ =	shalt  }
0x72: {  	_ =	shalt  }
0x73: {  	_ =	shalt  }
0x74: {  	_ =	shalt  }
0x75: {  	_ =	shalt  }
0x76: {  	_ =	shalt  }
0x77: {  	_ =	shalt  }
0x78: {  	_ =	shalt  }
0x79: {  	_ =	shalt  }
0x7a: {  	_ =	shalt  }
0x7b: {  	_ =	shalt  }
0x7c: {  	_ =	shalt  }
0x7d: {  	_ =	shalt  }
0x7e: {  	_ =	shalt  }
0x7f: {  	_ =	shalt  }
0x80: {  	_ =	shalt  }
0x81: {  	_ =	shalt  }
0x82: {  	_ =	shalt  }
0x83: {  	_ =	shalt  }
0x84: {  	_ =	shalt  }
0x85: {  	_ =	shalt  }
0x86: {  	_ =	shalt  }
0x87: {  	_ =	shalt  }
.Lfunc_end0:
.L_simem_size_0:
called_computation_lowered:
.L_overlay_start_0:
0x88: {  	s2 =	sld [smem:$0x3FD9]  }
0x89: {  	s3 =	sld [smem:$0x3FFE];
	_ =	sdelay $0x1  }
0x8a: {  	s1 =	srdreg.scid  }
0x8b: {  	s0 =	sand.u32 $0x1, s1  }
0x8c: {  	s17 =	sshll.u32 s0, $0xA;
	s2 =	sadd.s32 s3, s2  }
0x8d: {  	s2 =	sadd.s32 s2, s17  }
0x8e: {  	[smem:$0x3FC4] =	sst s2  }
0x8f: {  	_ = 	snop  }
0x90: {  	s2 =	sld [smem:$0x3FC8]  }
0x91: {  	s18 =	sld [smem:$0x3FD0];
	(tm) =	ssettm $0x1  }
0x92: {  	s4 =	sld [smem:$0x3FFB];
	_ =	sdelay $0x3  }
0x93: {  	_ =	strace s4  }
0x94: {  	s4 =	sld [smem:$0x3FFC];
	_ =	sdelay $0x3  }
0x95: {  	_ =	strace s4  }
0x96: {  	s4 =	sld [smem:$0x3FFD];
	_ =	sdelay $0x3  }
0x97: {  	_ =	strace s4  }
0x98: {  	_ =	strace $0x8FFFFFFF  }
0x99: {  	s19 =	sld [smem:$0x3FDB];
	_ =	sdelay $0x1  }
0x9a: {  	s5 =	simm.s32 $_scs_section_size  }
0x9b: {  	s6 =	simm.s32 $_size__tile_overlayer_lowered;
	s7 =	simm.s32 $_tile_overlayer_lowered  }
0x9c: {  	s22 =	simm.s32 $0x1BFF;
	s21 =	sshll.u32 s7, $0x1;
	s4 =	sadd.s32 s5, s19  }
0x9d: {  	s8 =	simm.s32 $0x0;
	s20 =	sshll.u32 s6, $0x1;
	s6 =	sadd.s32 s21, s4  }
0x9e: {  	[timem:s8], [sflag:s22] =	dma.local [hbm:s6], s20  }
0x9f: {  	_ =	swait.ge [sflag:s22], s20  }
0xa0: {  	s5 =	ssub.s32 $0x0, s20;
	[sflag:s22] =	ssyncset.done $0x0  }
0xa1: {  	[sflag:s22] =	ssyncadd.s32 s5;
	_ =	sdelay $0x1  }
0xa2: {  	s23 =	simm.s32 $0x1B8B  }
0xa3: {  	_ =	swait.ge [sflag:s23], $0x1  }
0xa4: {  	[sflag:s23] =	ssyncset.done $0x0  }
0xa5: {  	s25 =	simm.s32 $0x1B8E;
	s24 =	sld [smem:$0x3FFE];
	[sflag:s23] =	ssyncadd.s32 $0xFFFFFFFF  }
0xa6: {  	s26 =	simm.s32 $execute0_lowered;
	[smem:$0x3FD2] =	sst s25  }
0xa7: {  	s6 =	sshll.u32 s26, $0x1;
	_ =	strace $0x80000046;
	[dreg:$0x1] =	wrdreg $0xFFFFFFFF  }
0xa8: {  	s28 =	simm.s32 $_size_execute0_lowered;
	s4 =	sadd.s32 s4, s6;
	[dreg:$0x0] =	wrdreg $0x0  }
0xa9: {  	s6 =	sshll.u32 s28, $0x1;
	[dreg:$0x2] =	wrdreg s4  }
0xaa: {  	[dreg:$0x3] =	wrdreg s6  }
0xab: {  	[dreg:$0x4] =	wrdreg $0xC0  }
0xac: {  	_ =	task [dreg:s8], $0x5FFFF  }
0xad: {  	[dreg:$0x1] =	wrdreg $0xFFFFFFFF  }
0xae: {  	[dreg:$0x0] =	wrdreg $0x60  }
0xaf: {  	[dreg:$0x2] =	wrdreg s24  }
0xb0: {  	[dreg:$0x3] =	wrdreg s2  }
0xb1: {  	[dreg:$0x4] =	wrdreg s18  }
0xb2: {  	[dreg:$0x5] =	wrdreg $0x9  }
0xb3: {  	_ =	task.clear_ibuf [dreg:s8], $0x6FFFF;
	_ =	strace $0x90000046  }
0xb4: {  	s29 =	simm.s32 $0x9;
	_ =	strace $0x80000048  }
0xb5: {  	_ =	swait.ge [sflag:s29], $0x1  }
0xb6: {  	[sflag:s29] =	ssyncadd.s32 $0xFFFFFFFF  }
0xb7: {  	_ =	strace $0x90000048  }
0xb8: {  	_ =	sfence  }
0xb9: {  	s30 =	sld [smem:$0x0];
	_ =	sdelay $0x2  }
0xba: {  	s31 =	sshll.u32 s1, $0xD;
	s1 =	sshrl.u32 s1, $0x2  }
0xbb: {  	s3 =	sand.u32 $0x4000, s31;
	s1 =	sadd.s32 s1, s30  }
0xbc: {  	s0 =	sor.u32 s3, s0;
	s1 =	sshll.u32 s1, $0x11  }
0xbd: {  	s0 =	sor.u32 s1, s0  }
0xbe: {  	s0 =	sadd.s32 $0x8F2B, s0  }
0xbf: {  	[sflag:s0] =	ssyncadd.remote.s32 $0x1  }
0xc0: {  	_ =	sfence.sel $0xFFFF  }
0xc1: {  	[dreg:$0x0] =	wrdreg $0xFFFFFFFF;
	(pc) =	sbr.abs _section_cstart, $3  }
0xc2: {  	[dreg:$0x1] =	wrdreg $0xFFFFFFFF  }
0xc3: {  	_ =	task.clear_ibuf [dreg:s8], $0x2FFFF;
	_ =	strace $0x9FFFFFFF  }
0xc4: {  	(tm) =	ssettm $0x7FFFFFFF  }
0xc5: {  	_ =	shalt  }
tec
execute0_lowered:
.L_overlay_start_1:
0x0: {  	(tag) =	ssettag $0x1  }
0x1: {  	s1 =	srdreg.scid;
	s0 =	stileid.u32  }
0x2: {  	s1 =	sand.u32 $0x1, s1;
	s3 =	sshll.u32 s0, $0x1  }
0x3: {  	s4 =	rddreg [dreg:$0x0];
	s11 =	sor.u32 s1, s3  }
0x4: {  	s2 =	rddreg [dreg:$0x1];
	s5 =	sshll.u32 s11, $0x8;
	s6 =	smul.u32 $0x18000, s11  }
0x5: {  	s10 =	rddreg [dreg:$0x2];
	s3 =	simm.s32 $0x0;
	s4 =	sadd.s32 s5, s4  }
0x6: {  	[smem:$0x7FF] =	sst s3;
	s4 =	sadd.s32 $0x1000, s4;
	s24 =	sshrl.u32 s6, $0x3  }
0x7: {  	_ =	strace $0x80000047;
	[dreg:$0x4] =	wrdreg s4;
	s25 =	sadd.s32 s10, s24  }
0x8: {  	s5 =	sadd.s32 $0x2800, s25;
	s26 =	rddreg [dreg:$0x4]  }
0x9: {  	s4 =	sadd.s32 $0x2C00, s25;
	[dreg:$0x5] =	wrdreg s5  }
0xa: {  	[dreg:$0x6] =	wrdreg s4;
	s4 =	simm.s32 $0x3  }
0xb: {  	[tilespmem:s3], [sflag:$0x3] =	stream.linear.gather [hbm4b:s26+s3], $0x600, $0x38;
	[tilespmem:$0x4800] =	vst v63  }
0xc: {  	_ =	swait.ge [sflag:s4], $0x600  }
0xd: {  	[sflag:s4] =	ssyncset.done $0x0  }
0xe: {  	s6 =	simm.s32 $0x800;
	s5 =	simm.s32 $0x40;
	[sflag:s4] =	ssyncadd.s32 $0xFFFFFA00  }
0xf: {  	[tilespmem:s6], [sflag:$0x1] =	stream.indirect.gather [hbm4b:s2+s5], $0x80, s3, s5, $0xb8;
	[tilespmem:$0x4800] =	vst v63  }
0x10: {  	s7 =	simm.s32 $0x80;
	s8 =	simm.s32 $0x2800;
	s9 =	simm.s32 $0x1  }
0x11: {  	[tilespmem:s8], [sflag:$0x2] =	stream.indirect.gather [hbm4b:s2+s5], $0x80, s7, s5, $0xb8;
	[tilespmem:$0x4800] =	vst v63  }
0x12: {  	s11 =	smul.u32 $0x3000, s11;
	_ =	swait.ge [sflag:s9], $0x2000  }
0x13: {  	[sflag:s9] =	ssyncset.done $0x0  }
0x14: {  	s10 =	sadd.s32 s10, s11;
	[sflag:s9] =	ssyncadd.s32 $0xFFFFE000  }
0x15: {  	[hbm4b:s10+s3] =	stream.linear.scatter [tilespmem:s6], [sflag:$0x3], $0x2000, $0x38;
	[tilespmem:$0x4800] =	vst v63  }
0x16: {  	_ =	swait.ge [sflag:s4], $0x2000  }
0x17: {  	[sflag:s4] =	ssyncset.done $0x0  }
0x18: {  	s12 =	simm.s32 $0x2;
	s11 =	simm.s32 $0x100;
	[sflag:s4] =	ssyncadd.s32 $0xFFFFE000  }
0x19: {  	[tilespmem:s6], [sflag:$0x1] =	stream.indirect.gather [hbm4b:s2+s5], $0x80, s11, s5, $0xb8;
	[tilespmem:$0x4800] =	vst v63  }
0x1a: {  	_ =	swait.ge [sflag:s12], $0x2000  }
0x1b: {  	[sflag:s12] =	ssyncset.done $0x0  }
0x1c: {  	s13 =	sadd.s32 $0x400, s10;
	[sflag:s12] =	ssyncadd.s32 $0xFFFFE000  }
0x1d: {  	[hbm4b:s13+s3] =	stream.linear.scatter [tilespmem:s8], [sflag:$0x3], $0x2000, $0x38;
	[tilespmem:$0x4800] =	vst v63  }
0x1e: {  	_ =	swait.ge [sflag:s4], $0x2000  }
0x1f: {  	[sflag:s4] =	ssyncset.done $0x0  }
0x20: {  	s14 =	simm.s32 $0x180;
	[sflag:s4] =	ssyncadd.s32 $0xFFFFE000  }
0x21: {  	[tilespmem:s8], [sflag:$0x2] =	stream.indirect.gather [hbm4b:s2+s5], $0x80, s14, s5, $0xb8;
	[tilespmem:$0x4800] =	vst v63  }
0x22: {  	_ =	swait.ge [sflag:s9], $0x2000  }
0x23: {  	[sflag:s9] =	ssyncset.done $0x0  }
0x24: {  	s15 =	sadd.s32 $0x800, s10;
	[sflag:s9] =	ssyncadd.s32 $0xFFFFE000  }
0x25: {  	[hbm4b:s15+s3] =	stream.linear.scatter [tilespmem:s6], [sflag:$0x3], $0x2000, $0x38;
	[tilespmem:$0x4800] =	vst v63  }
0x26: {  	_ =	swait.ge [sflag:s4], $0x2000  }
0x27: {  	[sflag:s4] =	ssyncset.done $0x0  }
0x28: {  	s16 =	simm.s32 $0x200;
	[sflag:s4] =	ssyncadd.s32 $0xFFFFE000  }
0x29: {  	[tilespmem:s6], [sflag:$0x1] =	stream.indirect.gather [hbm4b:s2+s5], $0x80, s16, s5, $0xb8;
	[tilespmem:$0x4800] =	vst v63  }
0x2a: {  	_ =	swait.ge [sflag:s12], $0x2000  }
0x2b: {  	[sflag:s12] =	ssyncset.done $0x0  }
0x2c: {  	s17 =	sadd.s32 $0xC00, s10;
	[sflag:s12] =	ssyncadd.s32 $0xFFFFE000  }
0x2d: {  	[hbm4b:s17+s3] =	stream.linear.scatter [tilespmem:s8], [sflag:$0x3], $0x2000, $0x38;
	[tilespmem:$0x4800] =	vst v63  }
0x2e: {  	_ =	swait.ge [sflag:s4], $0x2000  }
0x2f: {  	[sflag:s4] =	ssyncset.done $0x0  }
0x30: {  	s18 =	simm.s32 $0x280;
	[sflag:s4] =	ssyncadd.s32 $0xFFFFE000  }
0x31: {  	[tilespmem:s8], [sflag:$0x2] =	stream.indirect.gather [hbm4b:s2+s5], $0x80, s18, s5, $0xb8;
	[tilespmem:$0x4800] =	vst v63  }
0x32: {  	_ =	swait.ge [sflag:s9], $0x2000  }
0x33: {  	[sflag:s9] =	ssyncset.done $0x0  }
0x34: {  	s19 =	sadd.s32 $0x1000, s10;
	[sflag:s9] =	ssyncadd.s32 $0xFFFFE000  }
0x35: {  	[hbm4b:s19+s3] =	stream.linear.scatter [tilespmem:s6], [sflag:$0x3], $0x2000, $0x38;
	[tilespmem:$0x4800] =	vst v63  }
0x36: {  	_ =	swait.ge [sflag:s4], $0x2000  }
0x37: {  	[sflag:s4] =	ssyncset.done $0x0  }
0x38: {  	s20 =	simm.s32 $0x300;
	[sflag:s4] =	ssyncadd.s32 $0xFFFFE000  }
0x39: {  	[tilespmem:s6], [sflag:$0x1] =	stream.indirect.gather [hbm4b:s2+s5], $0x80, s20, s5, $0xb8;
	[tilespmem:$0x4800] =	vst v63  }
0x3a: {  	_ =	swait.ge [sflag:s12], $0x2000  }
0x3b: {  	[sflag:s12] =	ssyncset.done $0x0  }
0x3c: {  	s21 =	sadd.s32 $0x1400, s10;
	[sflag:s12] =	ssyncadd.s32 $0xFFFFE000  }
0x3d: {  	[hbm4b:s21+s3] =	stream.linear.scatter [tilespmem:s8], [sflag:$0x3], $0x2000, $0x38;
	[tilespmem:$0x4800] =	vst v63  }
0x3e: {  	_ =	swait.ge [sflag:s4], $0x2000  }
0x3f: {  	[sflag:s4] =	ssyncset.done $0x0  }
0x40: {  	s22 =	simm.s32 $0x380;
	[sflag:s4] =	ssyncadd.s32 $0xFFFFE000  }
0x41: {  	[tilespmem:s8], [sflag:$0x2] =	stream.indirect.gather [hbm4b:s2+s5], $0x80, s22, s5, $0xb8;
	[tilespmem:$0x4800] =	vst v63  }
0x42: {  	_ =	swait.ge [sflag:s9], $0x2000  }
0x43: {  	[sflag:s9] =	ssyncset.done $0x0  }
0x44: {  	s23 =	sadd.s32 $0x1800, s10;
	[sflag:s9] =	ssyncadd.s32 $0xFFFFE000  }
0x45: {  	[hbm4b:s23+s3] =	stream.linear.scatter [tilespmem:s6], [sflag:$0x3], $0x2000, $0x38;
	[tilespmem:$0x4800] =	vst v63  }
0x46: {  	_ =	swait.ge [sflag:s4], $0x2000  }
0x47: {  	[sflag:s4] =	ssyncset.done $0x0  }
0x48: {  	s24 =	simm.s32 $0x400;
	[sflag:s4] =	ssyncadd.s32 $0xFFFFE000  }
0x49: {  	[tilespmem:s6], [sflag:$0x1] =	stream.indirect.gather [hbm4b:s2+s5], $0x80, s24, s5, $0xb8;
	[tilespmem:$0x4800] =	vst v63  }
0x4a: {  	_ =	swait.ge [sflag:s12], $0x2000  }
0x4b: {  	[sflag:s12] =	ssyncset.done $0x0  }
0x4c: {  	s25 =	sadd.s32 $0x1C00, s10;
	[sflag:s12] =	ssyncadd.s32 $0xFFFFE000  }
0x4d: {  	[hbm4b:s25+s3] =	stream.linear.scatter [tilespmem:s8], [sflag:$0x3], $0x2000, $0x38;
	[tilespmem:$0x4800] =	vst v63  }
0x4e: {  	_ =	swait.ge [sflag:s4], $0x2000  }
0x4f: {  	[sflag:s4] =	ssyncset.done $0x0  }
0x50: {  	s26 =	simm.s32 $0x480;
	[sflag:s4] =	ssyncadd.s32 $0xFFFFE000  }
0x51: {  	[tilespmem:s8], [sflag:$0x2] =	stream.indirect.gather [hbm4b:s2+s5], $0x80, s26, s5, $0xb8;
	[tilespmem:$0x4800] =	vst v63  }
0x52: {  	_ =	swait.ge [sflag:s9], $0x2000  }
0x53: {  	[sflag:s9] =	ssyncset.done $0x0  }
0x54: {  	s28 =	sadd.s32 $0x2000, s10;
	[sflag:s9] =	ssyncadd.s32 $0xFFFFE000  }
0x55: {  	[hbm4b:s28+s3] =	stream.linear.scatter [tilespmem:s6], [sflag:$0x3], $0x2000, $0x38;
	[tilespmem:$0x4800] =	vst v63  }
0x56: {  	_ =	swait.ge [sflag:s4], $0x2000  }
0x57: {  	[sflag:s4] =	ssyncset.done $0x0  }
0x58: {  	s29 =	simm.s32 $0x500;
	[sflag:s4] =	ssyncadd.s32 $0xFFFFE000  }
0x59: {  	[tilespmem:s6], [sflag:$0x1] =	stream.indirect.gather [hbm4b:s2+s5], $0x80, s29, s5, $0xb8;
	[tilespmem:$0x4800] =	vst v63  }
0x5a: {  	_ =	swait.ge [sflag:s12], $0x2000  }
0x5b: {  	[sflag:s12] =	ssyncset.done $0x0  }
0x5c: {  	s30 =	sadd.s32 $0x2400, s10;
	[sflag:s12] =	ssyncadd.s32 $0xFFFFE000  }
0x5d: {  	[hbm4b:s30+s3] =	stream.linear.scatter [tilespmem:s8], [sflag:$0x3], $0x2000, $0x38;
	[tilespmem:$0x4800] =	vst v63  }
0x5e: {  	_ =	swait.ge [sflag:s4], $0x2000  }
0x5f: {  	[sflag:s4] =	ssyncset.done $0x0  }
0x60: {  	s31 =	simm.s32 $0x580;
	[sflag:s4] =	ssyncadd.s32 $0xFFFFE000  }
0x61: {  	[tilespmem:s8], [sflag:$0x2] =	stream.indirect.gather [hbm4b:s2+s5], $0x80, s31, s5, $0xb8;
	[tilespmem:$0x4800] =	vst v63  }
0x62: {  	_ =	swait.ge [sflag:s9], $0x2000  }
0x63: {  	[sflag:s9] =	ssyncset.done $0x0  }
0x64: {  	s0 =	rddreg [dreg:$0x5];
	[sflag:s9] =	ssyncadd.s32 $0xFFFFE000  }
0x65: {  	[hbm4b:s0+s3] =	stream.linear.scatter [tilespmem:s6], [sflag:$0x3], $0x2000, $0x38;
	[tilespmem:$0x4800] =	vst v63  }
0x66: {  	_ =	swait.ge [sflag:s4], $0x2000  }
0x67: {  	[sflag:s4] =	ssyncset.done $0x0  }
0x68: {  	[sflag:s4] =	ssyncadd.s32 $0xFFFFE000  }
0x69: {  	_ =	swait.ge [sflag:s12], $0x2000  }
0x6a: {  	s0 =	ssub.s32 $0x2, s1;
	s1 =	rddreg [dreg:$0x6]  }
0x6b: {  	[dreg:$0x7] =	wrdreg s1;
	s1 =	sshrl.u32 s0, $0x1  }
0x6c: {  	s0 =	ssub.s32 s0, s1  }
0x6d: {  	s0 =	smax.u32 s0, $0x1  }
0x6e: {  	p0 =	sne.s32 s0, $0x1  }
.Ltmp0:
0x6f: {  	_ = 	snop;
	(pc) =	sbr.rel @!p0 .LBB2_2-.Ltmp0, $4  }
0x70: {  	[sflag:s12] =	ssyncset.done $0x0  }
0x71: {  	[sflag:s12] =	ssyncadd.s32 $0xFFFFE000;
	s1 =	rddreg [dreg:$0x7]  }
0x72: {  	[hbm4b:s1+s3] =	stream.linear.scatter [tilespmem:s8], [sflag:$0x3], $0x2000, $0x38;
	[tilespmem:$0x4800] =	vst v63  }
0x73: {  	s1 =	sadd.s32 $0xFFFFFFFF, s0;
	_ =	swait.ge [sflag:s4], $0x2000  }
.LBB2_1:
0x74: {  	[sflag:s4] =	ssyncset.done $0x0  }
0x75: {  	s0 =	rddreg [dreg:$0x4];
	[sflag:s4] =	ssyncadd.s32 $0xFFFFE000  }
0x76: {  	[tilespmem:s3], [sflag:$0x3] =	stream.linear.gather [hbm4b:s0+s3], $0x600, $0x38;
	[tilespmem:$0x4800] =	vst v63  }
0x77: {  	_ =	swait.ge [sflag:s4], $0x600  }
0x78: {  	[sflag:s4] =	ssyncset.done $0x0  }
0x79: {  	[sflag:s4] =	ssyncadd.s32 $0xFFFFFA00  }
0x7a: {  	[tilespmem:s6], [sflag:$0x1] =	stream.indirect.gather [hbm4b:s2+s5], $0x80, s3, s5, $0xb8;
	[tilespmem:$0x4800] =	vst v63  }
0x7b: {  	_ = 	snop  }
0x7c: {  	[tilespmem:s8], [sflag:$0x2] =	stream.indirect.gather [hbm4b:s2+s5], $0x80, s7, s5, $0xb8;
	[tilespmem:$0x4800] =	vst v63  }
0x7d: {  	_ =	swait.ge [sflag:s9], $0x2000  }
0x7e: {  	[sflag:s9] =	ssyncset.done $0x0  }
0x7f: {  	[sflag:s9] =	ssyncadd.s32 $0xFFFFE000  }
0x80: {  	[hbm4b:s10+s3] =	stream.linear.scatter [tilespmem:s6], [sflag:$0x3], $0x2000, $0x38;
	[tilespmem:$0x4800] =	vst v63  }
0x81: {  	_ =	swait.ge [sflag:s4], $0x2000  }
0x82: {  	[sflag:s4] =	ssyncset.done $0x0  }
0x83: {  	[sflag:s4] =	ssyncadd.s32 $0xFFFFE000  }
0x84: {  	[tilespmem:s6], [sflag:$0x1] =	stream.indirect.gather [hbm4b:s2+s5], $0x80, s11, s5, $0xb8;
	[tilespmem:$0x4800] =	vst v63  }
0x85: {  	_ =	swait.ge [sflag:s12], $0x2000  }
0x86: {  	[sflag:s12] =	ssyncset.done $0x0  }
0x87: {  	[sflag:s12] =	ssyncadd.s32 $0xFFFFE000  }
0x88: {  	[hbm4b:s13+s3] =	stream.linear.scatter [tilespmem:s8], [sflag:$0x3], $0x2000, $0x38;
	[tilespmem:$0x4800] =	vst v63  }
0x89: {  	_ =	swait.ge [sflag:s4], $0x2000  }
0x8a: {  	[sflag:s4] =	ssyncset.done $0x0  }
0x8b: {  	[sflag:s4] =	ssyncadd.s32 $0xFFFFE000  }
0x8c: {  	[tilespmem:s8], [sflag:$0x2] =	stream.indirect.gather [hbm4b:s2+s5], $0x80, s14, s5, $0xb8;
	[tilespmem:$0x4800] =	vst v63  }
0x8d: {  	_ =	swait.ge [sflag:s9], $0x2000  }
0x8e: {  	[sflag:s9] =	ssyncset.done $0x0  }
0x8f: {  	[sflag:s9] =	ssyncadd.s32 $0xFFFFE000  }
0x90: {  	[hbm4b:s15+s3] =	stream.linear.scatter [tilespmem:s6], [sflag:$0x3], $0x2000, $0x38;
	[tilespmem:$0x4800] =	vst v63  }
0x91: {  	_ =	swait.ge [sflag:s4], $0x2000  }
0x92: {  	[sflag:s4] =	ssyncset.done $0x0  }
0x93: {  	[sflag:s4] =	ssyncadd.s32 $0xFFFFE000  }
0x94: {  	[tilespmem:s6], [sflag:$0x1] =	stream.indirect.gather [hbm4b:s2+s5], $0x80, s16, s5, $0xb8;
	[tilespmem:$0x4800] =	vst v63  }
0x95: {  	_ =	swait.ge [sflag:s12], $0x2000  }
0x96: {  	[sflag:s12] =	ssyncset.done $0x0  }
0x97: {  	[sflag:s12] =	ssyncadd.s32 $0xFFFFE000  }
0x98: {  	[hbm4b:s17+s3] =	stream.linear.scatter [tilespmem:s8], [sflag:$0x3], $0x2000, $0x38;
	[tilespmem:$0x4800] =	vst v63  }
0x99: {  	_ =	swait.ge [sflag:s4], $0x2000  }
0x9a: {  	[sflag:s4] =	ssyncset.done $0x0  }
0x9b: {  	[sflag:s4] =	ssyncadd.s32 $0xFFFFE000  }
0x9c: {  	[tilespmem:s8], [sflag:$0x2] =	stream.indirect.gather [hbm4b:s2+s5], $0x80, s18, s5, $0xb8;
	[tilespmem:$0x4800] =	vst v63  }
0x9d: {  	_ =	swait.ge [sflag:s9], $0x2000  }
0x9e: {  	[sflag:s9] =	ssyncset.done $0x0  }
0x9f: {  	[sflag:s9] =	ssyncadd.s32 $0xFFFFE000  }
0xa0: {  	[hbm4b:s19+s3] =	stream.linear.scatter [tilespmem:s6], [sflag:$0x3], $0x2000, $0x38;
	[tilespmem:$0x4800] =	vst v63  }
0xa1: {  	_ =	swait.ge [sflag:s4], $0x2000  }
0xa2: {  	[sflag:s4] =	ssyncset.done $0x0  }
0xa3: {  	[sflag:s4] =	ssyncadd.s32 $0xFFFFE000  }
0xa4: {  	[tilespmem:s6], [sflag:$0x1] =	stream.indirect.gather [hbm4b:s2+s5], $0x80, s20, s5, $0xb8;
	[tilespmem:$0x4800] =	vst v63  }
0xa5: {  	_ =	swait.ge [sflag:s12], $0x2000  }
0xa6: {  	[sflag:s12] =	ssyncset.done $0x0  }
0xa7: {  	[sflag:s12] =	ssyncadd.s32 $0xFFFFE000  }
0xa8: {  	[hbm4b:s21+s3] =	stream.linear.scatter [tilespmem:s8], [sflag:$0x3], $0x2000, $0x38;
	[tilespmem:$0x4800] =	vst v63  }
0xa9: {  	_ =	swait.ge [sflag:s4], $0x2000  }
0xaa: {  	[sflag:s4] =	ssyncset.done $0x0  }
0xab: {  	[sflag:s4] =	ssyncadd.s32 $0xFFFFE000  }
0xac: {  	[tilespmem:s8], [sflag:$0x2] =	stream.indirect.gather [hbm4b:s2+s5], $0x80, s22, s5, $0xb8;
	[tilespmem:$0x4800] =	vst v63  }
0xad: {  	_ =	swait.ge [sflag:s9], $0x2000  }
0xae: {  	[sflag:s9] =	ssyncset.done $0x0  }
0xaf: {  	[sflag:s9] =	ssyncadd.s32 $0xFFFFE000  }
0xb0: {  	[hbm4b:s23+s3] =	stream.linear.scatter [tilespmem:s6], [sflag:$0x3], $0x2000, $0x38;
	[tilespmem:$0x4800] =	vst v63  }
0xb1: {  	_ =	swait.ge [sflag:s4], $0x2000  }
0xb2: {  	[sflag:s4] =	ssyncset.done $0x0  }
0xb3: {  	[sflag:s4] =	ssyncadd.s32 $0xFFFFE000  }
0xb4: {  	[tilespmem:s6], [sflag:$0x1] =	stream.indirect.gather [hbm4b:s2+s5], $0x80, s24, s5, $0xb8;
	[tilespmem:$0x4800] =	vst v63  }
0xb5: {  	_ =	swait.ge [sflag:s12], $0x2000  }
0xb6: {  	[sflag:s12] =	ssyncset.done $0x0  }
0xb7: {  	[sflag:s12] =	ssyncadd.s32 $0xFFFFE000  }
0xb8: {  	[hbm4b:s25+s3] =	stream.linear.scatter [tilespmem:s8], [sflag:$0x3], $0x2000, $0x38;
	[tilespmem:$0x4800] =	vst v63  }
0xb9: {  	_ =	swait.ge [sflag:s4], $0x2000  }
0xba: {  	[sflag:s4] =	ssyncset.done $0x0  }
0xbb: {  	[sflag:s4] =	ssyncadd.s32 $0xFFFFE000  }
0xbc: {  	[tilespmem:s8], [sflag:$0x2] =	stream.indirect.gather [hbm4b:s2+s5], $0x80, s26, s5, $0xb8;
	[tilespmem:$0x4800] =	vst v63  }
0xbd: {  	_ =	swait.ge [sflag:s9], $0x2000  }
0xbe: {  	[sflag:s9] =	ssyncset.done $0x0  }
0xbf: {  	[sflag:s9] =	ssyncadd.s32 $0xFFFFE000  }
0xc0: {  	[hbm4b:s28+s3] =	stream.linear.scatter [tilespmem:s6], [sflag:$0x3], $0x2000, $0x38;
	[tilespmem:$0x4800] =	vst v63  }
0xc1: {  	_ =	swait.ge [sflag:s4], $0x2000  }
0xc2: {  	[sflag:s4] =	ssyncset.done $0x0  }
0xc3: {  	[sflag:s4] =	ssyncadd.s32 $0xFFFFE000  }
0xc4: {  	[tilespmem:s6], [sflag:$0x1] =	stream.indirect.gather [hbm4b:s2+s5], $0x80, s29, s5, $0xb8;
	[tilespmem:$0x4800] =	vst v63  }
0xc5: {  	_ =	swait.ge [sflag:s12], $0x2000  }
0xc6: {  	[sflag:s12] =	ssyncset.done $0x0  }
0xc7: {  	[sflag:s12] =	ssyncadd.s32 $0xFFFFE000  }
0xc8: {  	[hbm4b:s30+s3] =	stream.linear.scatter [tilespmem:s8], [sflag:$0x3], $0x2000, $0x38;
	[tilespmem:$0x4800] =	vst v63  }
0xc9: {  	_ =	swait.ge [sflag:s4], $0x2000  }
0xca: {  	[sflag:s4] =	ssyncset.done $0x0  }
0xcb: {  	[sflag:s4] =	ssyncadd.s32 $0xFFFFE000  }
0xcc: {  	[tilespmem:s8], [sflag:$0x2] =	stream.indirect.gather [hbm4b:s2+s5], $0x80, s31, s5, $0xb8;
	[tilespmem:$0x4800] =	vst v63  }
0xcd: {  	_ =	swait.ge [sflag:s9], $0x2000  }
0xce: {  	[sflag:s9] =	ssyncset.done $0x0  }
0xcf: {  	s0 =	rddreg [dreg:$0x5];
	[sflag:s9] =	ssyncadd.s32 $0xFFFFE000  }
0xd0: {  	[hbm4b:s0+s3] =	stream.linear.scatter [tilespmem:s6], [sflag:$0x3], $0x2000, $0x38;
	[tilespmem:$0x4800] =	vst v63  }
0xd1: {  	_ =	swait.ge [sflag:s4], $0x2000  }
0xd2: {  	[sflag:s4] =	ssyncset.done $0x0  }
0xd3: {  	p0 =	sne.s32 s1, $0x1;
	[sflag:s4] =	ssyncadd.s32 $0xFFFFE000  }
.Ltmp1:
0xd4: {  	_ =	swait.ge [sflag:s12], $0x2000;
	(pc) =	sbr.rel @p0 .LBB2_1-.Ltmp1, $4  }
0xd5: {  	[sflag:s12] =	ssyncset.done $0x0  }
0xd6: {  	s0 =	rddreg [dreg:$0x6];
	[sflag:s12] =	ssyncadd.s32 $0xFFFFE000  }
0xd7: {  	[hbm4b:s0+s3] =	stream.linear.scatter [tilespmem:s8], [sflag:$0x3], $0x2000, $0x38;
	[tilespmem:$0x4800] =	vst v63  }
0xd8: {  	s1 =	sadd.s32 $0xFFFFFFFF, s1;
	_ =	swait.ge [sflag:s4], $0x2000  }
.LBB2_2:
0xd9: {  	[sflag:s4] =	ssyncset.done $0x0  }
0xda: {  	[sflag:s4] =	ssyncadd.s32 $0xFFFFE000  }
0xdb: {  	_ =	sfence.sel $0x180000  }
0xdc: {  	[bflag:$0x0] =	sbarrier.arrive $0xFFFF  }
0xdd: {  	_ =	strace $0x90000047  }
0xde: {  	s0 =	stileid.u32;
	[bflag:$0x2] =	sbarrier.arrive $0xFFFF  }
0xdf: {  	p0 =	sne.s32 s0, $0x0;
	s0 =	rddreg [dreg:$0x3]  }
0xe0: {  	s0 =	sadd.s32 @!p0 $0x100000, s0  }
0xe1: {  	[sflag:s0] =	ssyncadd.tile.s32 @!p0 $0x1;
	_ =	shalt  }
.Lfunc_end2:
_tile_overlayer_lowered:
.L_overlay_start_2:
0xe2: {  	(tag) =	ssettag $0x2  }
0xe3: {  	s0 =	rddreg [dreg:$0x0];
	s2 =	stileid.u32  }
0xe4: {  	s1 =	rddreg [dreg:$0x1];
	p0 =	sne.s32 s2, $0x0  }
0xe5: {  	s3 =	rddreg [dreg:$0x2];
	[bflag:$0x3] =	sbarrier.arrive $0xFFFF;
	s2 =	simm.s32 @!p0 $0x1C03  }
0xe6: {  	[timem:s3], [sflag:s2] =	dma.local @!p0 [hbm:s0], s1  }
0xe7: {  	s0 =	simm.s32 @!p0 $0x3  }
0xe8: {  	_ =	swait.ge @!p0 [sflag:s0], s1  }
0xe9: {  	s1 =	ssub.s32 @!p0 $0x0, s1;
	[sflag:s0] =	ssyncset.done @!p0 $0x0  }
0xea: {  	[sflag:s0] =	ssyncadd.s32 @!p0 s1  }
0xeb: {  	[bflag:$0x3] =	sbarrier.arrive $0xFFFF  }
0xec: {  	_ =	shalt  }

// kernel: kernel.9.cloned.1.call-start
scs
__scs_entry_jumppad:
0x0: {  	(pc) =	sbr.rel $0x88, $3  }
0x1: {  	(tag) =	ssettag $0x0;
	lr =	simm.s32 $0x1  }
0x2: {  	[smem:$0x3F9D] =	sst lr;
	_ =	strace $0xD0000000  }
0x3: {  	_ = 	snop  }
0x4: {  	_ = 	snop  }
0x5: {  	_ = 	snop  }
0x6: {  	_ = 	snop  }
0x7: {  	_ = 	snop  }
__scs_overlays_trampoline_lowered:
0x8: {  	[smem:$0x3FAC] =	sst s0  }
0x9: {  	[smem:$0x3FAD] =	sst s1  }
0xa: {  	[smem:$0x3FAE] =	sst s2  }
0xb: {  	[smem:$0x3FAF] =	sst s3  }
0xc: {  	[smem:$0x3FB0] =	sst s4  }
0xd: {  	[smem:$0x3FB1] =	sst s5  }
0xe: {  	[smem:$0x3FB2] =	sst s6  }
0xf: {  	[smem:$0x3FB3] =	sst s7  }
0x10: {  	[smem:$0x3FB4] =	sst s8  }
0x11: {  	[smem:$0x3FB5] =	sst s9;
	s0 =	simm.s32 @!p0 $0x0  }
0x12: {  	s1 =	sld [smem:$0x3F9B];
	s0 =	simm.s32 @p0 $0x1  }
0x13: {  	[smem:$0x3FB6] =	sst s0;
	s0 =	simm.s32 @!p1 $0x0  }
0x14: {  	s2 =	sld [smem:$0x3F9A];
	s0 =	simm.s32 @p1 $0x1  }
0x15: {  	[smem:$0x3FB7] =	sst s0;
	s0 =	simm.s32 @!p2 $0x0  }
0x16: {  	s3 =	sld [smem:$0x3FDB];
	s0 =	simm.s32 @p2 $0x1  }
0x17: {  	s4 =	simm.s32 $0x1BF5;
	[smem:$0x3FB9] =	sst s0  }
0x18: {  	s0 =	sld [smem:$0x3F9C];
	_ =	swait.ge [sflag:s4], $0x0  }
0x19: {  	s7 =	sld [smem:$0x3F9D]  }
0x1a: {  	s8 =	sadd.s32 $0xFFFFE003, lr  }
0x1b: {  	s9 =	sadd.s32 $0xFFFFFEF7, lr;
	s5 =	simm.s32 $0xFFFFFFFF;
	p2 =	slt.u32 s8, $0xFFFFF086  }
0x1c: {  	p1 =	slt.u32 s9, $0xF7A;
	s5 =	simm.s32 @!p2 $0x0  }
0x1d: {  	s5 =	simm.s32 @p1 $0x1;
	p0 =	seq.s32 s7, s2  }
0x1e: {  	s7 =	smul.u32 @!p0 $0xF7A, s2;
	p2 =	seq.s32 @!p0 s5, $0x0  }
0x1f: {  	s9 =	smul.u32 $0xF7A, s1;
	s8 =	simm.s32 @!p0 $0x1BF5;
	p2 =	por !p2, p0  }
0x20: {  	[sflag:s8] =	ssyncset.s32 @!p0 $0xFFFFF086;
	s6 =	sadd.s32 @!p0 s3, s7;
	s7 =	simm.s32 @!p0 $0x108  }
0x21: {  	s3 =	sadd.s32 s3, s9;
	s6 =	sadd.s32 @!p0 $0x88, s6;
	s7 =	simm.s32 @p2 $0x1082  }
0x22: {  	[simem:s7], [sflag:s8] =	dma.local @!p0 [hbm:s6], $0xF7A  }
0x23: {  	s9 =	sor.u32 $0xD0000000, s2;
	s6 =	simm.s32 $0x108;
	_ =	swait.ge @!p0 [sflag:s8], $0x0  }
0x24: {  	s3 =	sadd.s32 $0x88, s3;
	s6 =	simm.s32 @!p1 $0x1082;
	[sflag:s4] =	ssyncset.s32 $0xFFFFF086  }
0x25: {  	[simem:s6], [sflag:s4] =	dma.local [hbm:s3], $0xF7A  }
0x26: {  	[smem:$0x3F9D] =	sst s1;
	(tag) =	ssettag s2;
	_ =	strace s9  }
0x27: {  	s1 =	sld [smem:$0x3FAD]  }
0x28: {  	s2 =	sld [smem:$0x3FAE]  }
0x29: {  	s4 =	sld [smem:$0x3FB0]  }
0x2a: {  	p0 =	seq.s32 s5, $0x0;
	s5 =	sld [smem:$0x3FB1]  }
0x2b: {  	s6 =	sld [smem:$0x3FB2]  }
0x2c: {  	s7 =	sld [smem:$0x3FB3]  }
0x2d: {  	s3 =	simm.s32 $0x108;
	s8 =	sld [smem:$0x3FB4]  }
0x2e: {  	s3 =	simm.s32 @!p0 $0x1082;
	s9 =	sld [smem:$0x3FB5]  }
0x2f: {  	lr =	sadd.s32 s0, s3;
	s0 =	sld [smem:$0x3FAC]  }
0x30: {  	s3 =	sld [smem:$0x3FAF]  }
0x31: {  	[smem:$0x3FB8] =	sst s10  }
0x32: {  	s10 =	sld [smem:$0x3FB6];
	_ =	sdelay $0x3  }
0x33: {  	p0 =	seq.s32 s10, $0x1;
	s10 =	sld [smem:$0x3FB8];
	_ =	sdelay $0x3  }
0x34: {  	[smem:$0x3FB8] =	sst s10  }
0x35: {  	s10 =	sld [smem:$0x3FB7];
	_ =	sdelay $0x3  }
0x36: {  	p1 =	seq.s32 s10, $0x1;
	s10 =	sld [smem:$0x3FB8];
	_ =	sdelay $0x3  }
0x37: {  	[smem:$0x3FB8] =	sst s10  }
0x38: {  	s10 =	sld [smem:$0x3FB9]  }
0x39: {  	_ = 	snop;
	(pc) =	sbr.ind lr, $3  }
0x3a: {  	_ = 	snop  }
0x3b: {  	_ = 	snop  }
0x3c: {  	p2 =	seq.s32 s10, $0x1;
	s10 =	sld [smem:$0x3FB8]  }
0x3d: {  	_ =	shalt  }
0x3e: {  	_ =	shalt  }
0x3f: {  	_ =	shalt  }
0x40: {  	_ =	shalt  }
0x41: {  	_ =	shalt  }
0x42: {  	_ =	shalt  }
0x43: {  	_ =	shalt  }
0x44: {  	_ =	shalt  }
0x45: {  	_ =	shalt  }
0x46: {  	_ =	shalt  }
0x47: {  	_ =	shalt  }
0x48: {  	_ =	shalt  }
0x49: {  	_ =	shalt  }
0x4a: {  	_ =	shalt  }
0x4b: {  	_ =	shalt  }
0x4c: {  	_ =	shalt  }
0x4d: {  	_ =	shalt  }
0x4e: {  	_ =	shalt  }
0x4f: {  	_ =	shalt  }
0x50: {  	_ =	shalt  }
0x51: {  	_ =	shalt  }
0x52: {  	_ =	shalt  }
0x53: {  	_ =	shalt  }
0x54: {  	_ =	shalt  }
0x55: {  	_ =	shalt  }
0x56: {  	_ =	shalt  }
0x57: {  	_ =	shalt  }
0x58: {  	_ =	shalt  }
0x59: {  	_ =	shalt  }
0x5a: {  	_ =	shalt  }
0x5b: {  	_ =	shalt  }
0x5c: {  	_ =	shalt  }
0x5d: {  	_ =	shalt  }
0x5e: {  	_ =	shalt  }
0x5f: {  	_ =	shalt  }
0x60: {  	_ =	shalt  }
0x61: {  	_ =	shalt  }
0x62: {  	_ =	shalt  }
0x63: {  	_ =	shalt  }
0x64: {  	_ =	shalt  }
0x65: {  	_ =	shalt  }
0x66: {  	_ =	shalt  }
0x67: {  	_ =	shalt  }
0x68: {  	_ =	shalt  }
0x69: {  	_ =	shalt  }
0x6a: {  	_ =	shalt  }
0x6b: {  	_ =	shalt  }
0x6c: {  	_ =	shalt  }
0x6d: {  	_ =	shalt  }
0x6e: {  	_ =	shalt  }
0x6f: {  	_ =	shalt  }
0x70: {  	_ =	shalt  }
0x71: {  	_ =	shalt  }
0x72: {  	_ =	shalt  }
0x73: {  	_ =	shalt  }
0x74: {  	_ =	shalt  }
0x75: {  	_ =	shalt  }
0x76: {  	_ =	shalt  }
0x77: {  	_ =	shalt  }
0x78: {  	_ =	shalt  }
0x79: {  	_ =	shalt  }
0x7a: {  	_ =	shalt  }
0x7b: {  	_ =	shalt  }
0x7c: {  	_ =	shalt  }
0x7d: {  	_ =	shalt  }
0x7e: {  	_ =	shalt  }
0x7f: {  	_ =	shalt  }
0x80: {  	_ =	shalt  }
0x81: {  	_ =	shalt  }
0x82: {  	_ =	shalt  }
0x83: {  	_ =	shalt  }
0x84: {  	_ =	shalt  }
0x85: {  	_ =	shalt  }
0x86: {  	_ =	shalt  }
0x87: {  	_ =	shalt  }
.Lfunc_end0:
.L_simem_size_0:
called_computation.1_lowered:
.L_overlay_start_0:
0x88: {  	s2 =	sld [smem:$0x3FD9]  }
0x89: {  	s3 =	sld [smem:$0x3FFE];
	_ =	sdelay $0x1  }
0x8a: {  	s1 =	srdreg.scid  }
0x8b: {  	s0 =	sand.u32 $0x1, s1  }
0x8c: {  	s17 =	sshll.u32 s0, $0xA;
	s2 =	sadd.s32 s3, s2  }
0x8d: {  	s2 =	sadd.s32 s2, s17  }
0x8e: {  	[smem:$0x3FC4] =	sst s2  }
0x8f: {  	_ = 	snop  }
0x90: {  	s18 =	sld [smem:$0x3FC8];
	(tm) =	ssettm $0x1  }
0x91: {  	s19 =	sld [smem:$0x3FFB];
	_ =	sdelay $0x3  }
0x92: {  	_ =	strace s19  }
0x93: {  	s2 =	sld [smem:$0x3FFC];
	_ =	sdelay $0x3  }
0x94: {  	_ =	strace s2  }
0x95: {  	s2 =	sld [smem:$0x3FFD];
	_ =	sdelay $0x3  }
0x96: {  	_ =	strace s2  }
0x97: {  	_ =	strace $0x8FFFFFFF  }
0x98: {  	s20 =	sld [smem:$0x3FDB];
	_ =	sdelay $0x1  }
0x99: {  	s4 =	simm.s32 $_scs_section_size  }
0x9a: {  	s5 =	simm.s32 $_size__tile_overlayer_lowered;
	s6 =	simm.s32 $_tile_overlayer_lowered  }
0x9b: {  	s7 =	simm.s32 $0x1BFF;
	s21 =	sshll.u32 s6, $0x1;
	s4 =	sadd.s32 s4, s20  }
0x9c: {  	s22 =	simm.s32 $0x0;
	s5 =	sshll.u32 s5, $0x1;
	s6 =	sadd.s32 s21, s4  }
0x9d: {  	[timem:s22], [sflag:s7] =	dma.local [hbm:s6], s5  }
0x9e: {  	_ =	swait.ge [sflag:s7], s5  }
0x9f: {  	s5 =	ssub.s32 $0x0, s5;
	[sflag:s7] =	ssyncset.done $0x0  }
0xa0: {  	[sflag:s7] =	ssyncadd.s32 s5;
	_ =	sdelay $0x1  }
0xa1: {  	s23 =	simm.s32 $0x1B8B  }
0xa2: {  	_ =	swait.ge [sflag:s23], $0x1  }
0xa3: {  	[sflag:s23] =	ssyncset.done $0x0  }
0xa4: {  	[sflag:s23] =	ssyncadd.s32 $0xFFFFFFFF  }
0xa5: {  	s5 =	sld [smem:$0x0]  }
0xa6: {  	s6 =	sand.u32 $0xFFFFFFFE, s1  }
0xa7: {  	p0 =	sne.s32 s1, s6  }
0xa8: {  	s6 =	sshll.u32 @p0 s6, $0xE  }
0xa9: {  	s6 =	sadd.s32 @p0 $0x11B8D, s6;
	s7 =	sshll.u32 @p0 s5, $0x11  }
0xaa: {  	s6 =	sor.u32 @p0 s7, s6  }
0xab: {  	[sflag:s6] =	ssyncadd.remote.s32 @p0 $0x1;
	_ =	sdelay $0x1  }
0xac: {  	s6 =	simm.s32 @p0 $0x1B8D  }
0xad: {  	_ =	swait.eq @p0 [sflag:s6], $0x1  }
0xae: {  	[sflag:s6] =	ssyncadd.s32 @p0 $0xFFFFFFFF  }
0xaf: {  	s7 =	sshll.u32 @!p0 s1, $0xE  }
0xb0: {  	s7 =	sor.u32 @!p0 $0x4000, s7;
	s6 =	simm.s32 @!p0 $0x1B8D  }
0xb1: {  	s5 =	sshll.u32 @!p0 s5, $0x11;
	s7 =	sadd.s32 @!p0 $0x11B8D, s7;
	_ =	swait.eq @!p0 [sflag:s6], $0x1  }
0xb2: {  	s5 =	sor.u32 @!p0 s5, s7;
	[sflag:s6] =	ssyncadd.s32 @!p0 $0xFFFFFFFF  }
0xb3: {  	s25 =	simm.s32 $0x1B8E;
	s24 =	sld [smem:$0x3FFE];
	[sflag:s5] =	ssyncadd.remote.s32 @!p0 $0x1  }
0xb4: {  	s26 =	simm.s32 $execute0_lowered;
	[smem:$0x3FD2] =	sst s25  }
0xb5: {  	s6 =	sshll.u32 s26, $0x1;
	_ =	strace $0x80000049;
	[dreg:$0x1] =	wrdreg $0xFFFFFFFF  }
0xb6: {  	s28 =	simm.s32 $_size_execute0_lowered;
	s4 =	sadd.s32 s4, s6;
	[dreg:$0x0] =	wrdreg $0x0  }
0xb7: {  	s6 =	sshll.u32 s28, $0x1;
	[dreg:$0x2] =	wrdreg s4  }
0xb8: {  	[dreg:$0x3] =	wrdreg s6  }
0xb9: {  	[dreg:$0x4] =	wrdreg $0xC0  }
0xba: {  	_ =	task [dreg:s22], $0x5FFFF  }
0xbb: {  	[dreg:$0x1] =	wrdreg $0xFFFFFFFF  }
0xbc: {  	[dreg:$0x0] =	wrdreg $0x60  }
0xbd: {  	[dreg:$0x2] =	wrdreg s24  }
0xbe: {  	[dreg:$0x3] =	wrdreg s18  }
0xbf: {  	[dreg:$0x4] =	wrdreg $0xA  }
0xc0: {  	_ =	task.clear_ibuf [dreg:s22], $0x5FFFF;
	_ =	strace $0x90000049  }
0xc1: {  	s29 =	simm.s32 $0xA;
	_ =	strace $0x8000004B  }
0xc2: {  	_ =	swait.ge [sflag:s29], $0x1  }
0xc3: {  	[sflag:s29] =	ssyncadd.s32 $0xFFFFFFFF  }
0xc4: {  	_ =	strace $0x9000004B  }
0xc5: {  	_ =	sfence  }
0xc6: {  	s30 =	sld [smem:$0x0];
	_ =	sdelay $0x2  }
0xc7: {  	s31 =	sshll.u32 s1, $0xD;
	s1 =	sshrl.u32 s1, $0x2  }
0xc8: {  	s4 =	sand.u32 $0x4000, s31;
	s1 =	sadd.s32 s1, s30  }
0xc9: {  	s0 =	sor.u32 s4, s0;
	s1 =	sshll.u32 s1, $0x11  }
0xca: {  	s0 =	sor.u32 s1, s0  }
0xcb: {  	s0 =	sadd.s32 $0x8F2B, s0  }
0xcc: {  	[sflag:s0] =	ssyncadd.remote.s32 $0x1  }
0xcd: {  	_ =	sfence.sel $0xFFFF  }
0xce: {  	[dreg:$0x0] =	wrdreg $0xFFFFFFFF;
	(pc) =	sbr.abs _section_cstart, $3  }
0xcf: {  	[dreg:$0x1] =	wrdreg $0xFFFFFFFF  }
0xd0: {  	_ =	task.clear_ibuf [dreg:s22], $0x2FFFF;
	_ =	strace $0x9FFFFFFF  }
0xd1: {  	(tm) =	ssettm $0x7FFFFFFF  }
tec
execute0_lowered:
.L_overlay_start_1:
0x0: {  	(tag) =	ssettag $0x1  }
0x1: {  	s1 =	srdreg.scid;
	s0 =	stileid.u32  }
0x2: {  	s4 =	rddreg [dreg:$0x0];
	s1 =	sand.u32 $0x1, s1;
	s3 =	sshll.u32 s0, $0x1  }
0x3: {  	s2 =	rddreg [dreg:$0x1];
	s5 =	sor.u32 s1, s3  }
0x4: {  	s3 =	simm.s32 $0x0;
	s6 =	smul.u32 $0x1A000, s5;
	s7 =	sshll.u32 s5, $0x8  }
0x5: {  	[smem:$0x7FF] =	sst s3;
	s7 =	sadd.s32 s7, s4  }
0x6: {  	s4 =	sadd.s32 $0x5000, s4;
	s6 =	sshrl.u32 s6, $0x3;
	s7 =	sadd.s32 $0x3000, s7  }
0x7: {  	_ =	strace $0x8000004A;
	s6 =	sadd.s32 s4, s6;
	[dreg:$0x3] =	wrdreg s7  }
0x8: {  	s5 =	smul.u32 $0x3400, s5;
	s24 =	sadd.s32 $0x2800, s6;
	s26 =	rddreg [dreg:$0x3]  }
0x9: {  	s25 =	sadd.s32 $0x2C00, s6;
	[dreg:$0x4] =	wrdreg s24  }
0xa: {  	s4 =	sadd.s32 s4, s5;
	s6 =	sadd.s32 $0x3000, s6;
	[dreg:$0x5] =	wrdreg s25  }
0xb: {  	s5 =	sadd.s32 $0x400, s4;
	[dreg:$0x6] =	wrdreg s6  }
0xc: {  	[dreg:$0x7] =	wrdreg s5;
	s5 =	simm.s32 $0x3  }
0xd: {  	[tilespmem:s3], [sflag:$0x3] =	stream.linear.gather [hbm4b:s26+s3], $0x680, $0x38;
	[tilespmem:$0x4800] =	vst v63  }
0xe: {  	_ =	swait.ge [sflag:s5], $0x680  }
0xf: {  	[sflag:s5] =	ssyncset.done $0x0  }
0x10: {  	s7 =	simm.s32 $0x800;
	s6 =	simm.s32 $0x40;
	[sflag:s5] =	ssyncadd.s32 $0xFFFFF980  }
0x11: {  	[tilespmem:s7], [sflag:$0x1] =	stream.indirect.gather [hbm4b:s2+s6], $0x80, s3, s6, $0xb8;
	[tilespmem:$0x4800] =	vst v63  }
0x12: {  	s8 =	simm.s32 $0x80;
	s9 =	simm.s32 $0x2800;
	s10 =	simm.s32 $0x1  }
0x13: {  	[tilespmem:s9], [sflag:$0x2] =	stream.indirect.gather [hbm4b:s2+s6], $0x80, s8, s6, $0xb8;
	[tilespmem:$0x4800] =	vst v63  }
0x14: {  	_ =	swait.ge [sflag:s10], $0x2000  }
0x15: {  	[sflag:s10] =	ssyncset.done $0x0  }
0x16: {  	[sflag:s10] =	ssyncadd.s32 $0xFFFFE000  }
0x17: {  	[hbm4b:s4+s3] =	stream.linear.scatter [tilespmem:s7], [sflag:$0x3], $0x2000, $0x38;
	[tilespmem:$0x4800] =	vst v63  }
0x18: {  	_ =	swait.ge [sflag:s5], $0x2000  }
0x19: {  	[sflag:s5] =	ssyncset.done $0x0  }
0x1a: {  	s11 =	simm.s32 $0x100;
	s12 =	simm.s32 $0x2;
	[sflag:s5] =	ssyncadd.s32 $0xFFFFE000  }
0x1b: {  	[tilespmem:s7], [sflag:$0x1] =	stream.indirect.gather [hbm4b:s2+s6], $0x80, s11, s6, $0xb8;
	[tilespmem:$0x4800] =	vst v63  }
0x1c: {  	_ =	swait.ge [sflag:s12], $0x2000  }
0x1d: {  	[sflag:s12] =	ssyncset.done $0x0  }
0x1e: {  	s13 =	rddreg [dreg:$0x7];
	[sflag:s12] =	ssyncadd.s32 $0xFFFFE000  }
0x1f: {  	[hbm4b:s13+s3] =	stream.linear.scatter [tilespmem:s9], [sflag:$0x3], $0x2000, $0x38;
	[tilespmem:$0x4800] =	vst v63  }
0x20: {  	_ =	swait.ge [sflag:s5], $0x2000  }
0x21: {  	[sflag:s5] =	ssyncset.done $0x0  }
0x22: {  	s13 =	simm.s32 $0x180;
	[sflag:s5] =	ssyncadd.s32 $0xFFFFE000  }
0x23: {  	[tilespmem:s9], [sflag:$0x2] =	stream.indirect.gather [hbm4b:s2+s6], $0x80, s13, s6, $0xb8;
	[tilespmem:$0x4800] =	vst v63  }
0x24: {  	_ =	swait.ge [sflag:s10], $0x2000  }
0x25: {  	[sflag:s10] =	ssyncset.done $0x0  }
0x26: {  	s14 =	sadd.s32 $0x800, s4;
	[sflag:s10] =	ssyncadd.s32 $0xFFFFE000  }
0x27: {  	[hbm4b:s14+s3] =	stream.linear.scatter [tilespmem:s7], [sflag:$0x3], $0x2000, $0x38;
	[tilespmem:$0x4800] =	vst v63  }
0x28: {  	_ =	swait.ge [sflag:s5], $0x2000  }
0x29: {  	[sflag:s5] =	ssyncset.done $0x0  }
0x2a: {  	s15 =	simm.s32 $0x200;
	[sflag:s5] =	ssyncadd.s32 $0xFFFFE000  }
0x2b: {  	[tilespmem:s7], [sflag:$0x1] =	stream.indirect.gather [hbm4b:s2+s6], $0x80, s15, s6, $0xb8;
	[tilespmem:$0x4800] =	vst v63  }
0x2c: {  	_ =	swait.ge [sflag:s12], $0x2000  }
0x2d: {  	[sflag:s12] =	ssyncset.done $0x0  }
0x2e: {  	s16 =	sadd.s32 $0xC00, s4;
	[sflag:s12] =	ssyncadd.s32 $0xFFFFE000  }
0x2f: {  	[hbm4b:s16+s3] =	stream.linear.scatter [tilespmem:s9], [sflag:$0x3], $0x2000, $0x38;
	[tilespmem:$0x4800] =	vst v63  }
0x30: {  	_ =	swait.ge [sflag:s5], $0x2000  }
0x31: {  	[sflag:s5] =	ssyncset.done $0x0  }
0x32: {  	s17 =	simm.s32 $0x280;
	[sflag:s5] =	ssyncadd.s32 $0xFFFFE000  }
0x33: {  	[tilespmem:s9], [sflag:$0x2] =	stream.indirect.gather [hbm4b:s2+s6], $0x80, s17, s6, $0xb8;
	[tilespmem:$0x4800] =	vst v63  }
0x34: {  	_ =	swait.ge [sflag:s10], $0x2000  }
0x35: {  	[sflag:s10] =	ssyncset.done $0x0  }
0x36: {  	s18 =	sadd.s32 $0x1000, s4;
	[sflag:s10] =	ssyncadd.s32 $0xFFFFE000  }
0x37: {  	[hbm4b:s18+s3] =	stream.linear.scatter [tilespmem:s7], [sflag:$0x3], $0x2000, $0x38;
	[tilespmem:$0x4800] =	vst v63  }
0x38: {  	_ =	swait.ge [sflag:s5], $0x2000  }
0x39: {  	[sflag:s5] =	ssyncset.done $0x0  }
0x3a: {  	s19 =	simm.s32 $0x300;
	[sflag:s5] =	ssyncadd.s32 $0xFFFFE000  }
0x3b: {  	[tilespmem:s7], [sflag:$0x1] =	stream.indirect.gather [hbm4b:s2+s6], $0x80, s19, s6, $0xb8;
	[tilespmem:$0x4800] =	vst v63  }
0x3c: {  	_ =	swait.ge [sflag:s12], $0x2000  }
0x3d: {  	[sflag:s12] =	ssyncset.done $0x0  }
0x3e: {  	s20 =	sadd.s32 $0x1400, s4;
	[sflag:s12] =	ssyncadd.s32 $0xFFFFE000  }
0x3f: {  	[hbm4b:s20+s3] =	stream.linear.scatter [tilespmem:s9], [sflag:$0x3], $0x2000, $0x38;
	[tilespmem:$0x4800] =	vst v63  }
0x40: {  	_ =	swait.ge [sflag:s5], $0x2000  }
0x41: {  	[sflag:s5] =	ssyncset.done $0x0  }
0x42: {  	s21 =	simm.s32 $0x380;
	[sflag:s5] =	ssyncadd.s32 $0xFFFFE000  }
0x43: {  	[tilespmem:s9], [sflag:$0x2] =	stream.indirect.gather [hbm4b:s2+s6], $0x80, s21, s6, $0xb8;
	[tilespmem:$0x4800] =	vst v63  }
0x44: {  	_ =	swait.ge [sflag:s10], $0x2000  }
0x45: {  	[sflag:s10] =	ssyncset.done $0x0  }
0x46: {  	s22 =	sadd.s32 $0x1800, s4;
	[sflag:s10] =	ssyncadd.s32 $0xFFFFE000  }
0x47: {  	[hbm4b:s22+s3] =	stream.linear.scatter [tilespmem:s7], [sflag:$0x3], $0x2000, $0x38;
	[tilespmem:$0x4800] =	vst v63  }
0x48: {  	_ =	swait.ge [sflag:s5], $0x2000  }
0x49: {  	[sflag:s5] =	ssyncset.done $0x0  }
0x4a: {  	s23 =	simm.s32 $0x400;
	[sflag:s5] =	ssyncadd.s32 $0xFFFFE000  }
0x4b: {  	[tilespmem:s7], [sflag:$0x1] =	stream.indirect.gather [hbm4b:s2+s6], $0x80, s23, s6, $0xb8;
	[tilespmem:$0x4800] =	vst v63  }
0x4c: {  	_ =	swait.ge [sflag:s12], $0x2000  }
0x4d: {  	[sflag:s12] =	ssyncset.done $0x0  }
0x4e: {  	s24 =	sadd.s32 $0x1C00, s4;
	[sflag:s12] =	ssyncadd.s32 $0xFFFFE000  }
0x4f: {  	[hbm4b:s24+s3] =	stream.linear.scatter [tilespmem:s9], [sflag:$0x3], $0x2000, $0x38;
	[tilespmem:$0x4800] =	vst v63  }
0x50: {  	_ =	swait.ge [sflag:s5], $0x2000  }
0x51: {  	[sflag:s5] =	ssyncset.done $0x0  }
0x52: {  	s25 =	simm.s32 $0x480;
	[sflag:s5] =	ssyncadd.s32 $0xFFFFE000  }
0x53: {  	[tilespmem:s9], [sflag:$0x2] =	stream.indirect.gather [hbm4b:s2+s6], $0x80, s25, s6, $0xb8;
	[tilespmem:$0x4800] =	vst v63  }
0x54: {  	_ =	swait.ge [sflag:s10], $0x2000  }
0x55: {  	[sflag:s10] =	ssyncset.done $0x0  }
0x56: {  	s26 =	sadd.s32 $0x2000, s4;
	[sflag:s10] =	ssyncadd.s32 $0xFFFFE000  }
0x57: {  	[hbm4b:s26+s3] =	stream.linear.scatter [tilespmem:s7], [sflag:$0x3], $0x2000, $0x38;
	[tilespmem:$0x4800] =	vst v63  }
0x58: {  	_ =	swait.ge [sflag:s5], $0x2000  }
0x59: {  	[sflag:s5] =	ssyncset.done $0x0  }
0x5a: {  	s28 =	simm.s32 $0x500;
	[sflag:s5] =	ssyncadd.s32 $0xFFFFE000  }
0x5b: {  	[tilespmem:s7], [sflag:$0x1] =	stream.indirect.gather [hbm4b:s2+s6], $0x80, s28, s6, $0xb8;
	[tilespmem:$0x4800] =	vst v63  }
0x5c: {  	_ =	swait.ge [sflag:s12], $0x2000  }
0x5d: {  	[sflag:s12] =	ssyncset.done $0x0  }
0x5e: {  	s29 =	sadd.s32 $0x2400, s4;
	[sflag:s12] =	ssyncadd.s32 $0xFFFFE000  }
0x5f: {  	[hbm4b:s29+s3] =	stream.linear.scatter [tilespmem:s9], [sflag:$0x3], $0x2000, $0x38;
	[tilespmem:$0x4800] =	vst v63  }
0x60: {  	_ =	swait.ge [sflag:s5], $0x2000  }
0x61: {  	[sflag:s5] =	ssyncset.done $0x0  }
0x62: {  	s30 =	simm.s32 $0x580;
	[sflag:s5] =	ssyncadd.s32 $0xFFFFE000  }
0x63: {  	[tilespmem:s9], [sflag:$0x2] =	stream.indirect.gather [hbm4b:s2+s6], $0x80, s30, s6, $0xb8;
	[tilespmem:$0x4800] =	vst v63  }
0x64: {  	_ =	swait.ge [sflag:s10], $0x2000  }
0x65: {  	[sflag:s10] =	ssyncset.done $0x0  }
0x66: {  	s31 =	rddreg [dreg:$0x4];
	[sflag:s10] =	ssyncadd.s32 $0xFFFFE000  }
0x67: {  	[hbm4b:s31+s3] =	stream.linear.scatter [tilespmem:s7], [sflag:$0x3], $0x2000, $0x38;
	[tilespmem:$0x4800] =	vst v63  }
0x68: {  	_ =	swait.ge [sflag:s5], $0x2000  }
0x69: {  	[sflag:s5] =	ssyncset.done $0x0  }
0x6a: {  	s31 =	simm.s32 $0x600;
	[sflag:s5] =	ssyncadd.s32 $0xFFFFE000  }
0x6b: {  	[tilespmem:s7], [sflag:$0x1] =	stream.indirect.gather [hbm4b:s2+s6], $0x80, s31, s6, $0xb8;
	[tilespmem:$0x4800] =	vst v63  }
0x6c: {  	_ =	swait.ge [sflag:s12], $0x2000  }
0x6d: {  	[sflag:s12] =	ssyncset.done $0x0  }
0x6e: {  	s0 =	rddreg [dreg:$0x5];
	[sflag:s12] =	ssyncadd.s32 $0xFFFFE000  }
0x6f: {  	[hbm4b:s0+s3] =	stream.linear.scatter [tilespmem:s9], [sflag:$0x3], $0x2000, $0x38;
	[tilespmem:$0x4800] =	vst v63  }
0x70: {  	_ =	swait.ge [sflag:s5], $0x2000  }
0x71: {  	[sflag:s5] =	ssyncset.done $0x0  }
0x72: {  	[sflag:s5] =	ssyncadd.s32 $0xFFFFE000  }
0x73: {  	_ =	swait.ge [sflag:s10], $0x2000  }
0x74: {  	s0 =	ssub.s32 $0x2, s1;
	s1 =	rddreg [dreg:$0x6]  }
0x75: {  	[dreg:$0x8] =	wrdreg s1;
	s1 =	sshrl.u32 s0, $0x1  }
0x76: {  	s0 =	ssub.s32 s0, s1  }
0x77: {  	s0 =	smax.u32 s0, $0x1  }
0x78: {  	p0 =	sne.s32 s0, $0x1  }
.Ltmp0:
0x79: {  	_ = 	snop;
	(pc) =	sbr.rel @!p0 .LBB2_2-.Ltmp0, $4  }
0x7a: {  	[sflag:s10] =	ssyncset.done $0x0  }
0x7b: {  	[sflag:s10] =	ssyncadd.s32 $0xFFFFE000;
	s1 =	rddreg [dreg:$0x8]  }
0x7c: {  	[hbm4b:s1+s3] =	stream.linear.scatter [tilespmem:s7], [sflag:$0x3], $0x2000, $0x38;
	[tilespmem:$0x4800] =	vst v63  }
0x7d: {  	s1 =	sadd.s32 $0xFFFFFFFF, s0;
	_ =	swait.ge [sflag:s5], $0x2000  }
.LBB2_1:
0x7e: {  	[sflag:s5] =	ssyncset.done $0x0  }
0x7f: {  	s0 =	rddreg [dreg:$0x3];
	[sflag:s5] =	ssyncadd.s32 $0xFFFFE000  }
0x80: {  	[tilespmem:s3], [sflag:$0x3] =	stream.linear.gather [hbm4b:s0+s3], $0x680, $0x38;
	[tilespmem:$0x4800] =	vst v63  }
0x81: {  	_ =	swait.ge [sflag:s5], $0x680  }
0x82: {  	[sflag:s5] =	ssyncset.done $0x0  }
0x83: {  	[sflag:s5] =	ssyncadd.s32 $0xFFFFF980  }
0x84: {  	[tilespmem:s7], [sflag:$0x1] =	stream.indirect.gather [hbm4b:s2+s6], $0x80, s3, s6, $0xb8;
	[tilespmem:$0x4800] =	vst v63  }
0x85: {  	_ = 	snop  }
0x86: {  	[tilespmem:s9], [sflag:$0x2] =	stream.indirect.gather [hbm4b:s2+s6], $0x80, s8, s6, $0xb8;
	[tilespmem:$0x4800] =	vst v63  }
0x87: {  	_ =	swait.ge [sflag:s10], $0x2000  }
0x88: {  	[sflag:s10] =	ssyncset.done $0x0  }
0x89: {  	[sflag:s10] =	ssyncadd.s32 $0xFFFFE000  }
0x8a: {  	[hbm4b:s4+s3] =	stream.linear.scatter [tilespmem:s7], [sflag:$0x3], $0x2000, $0x38;
	[tilespmem:$0x4800] =	vst v63  }
0x8b: {  	_ =	swait.ge [sflag:s5], $0x2000  }
0x8c: {  	[sflag:s5] =	ssyncset.done $0x0  }
0x8d: {  	[sflag:s5] =	ssyncadd.s32 $0xFFFFE000  }
0x8e: {  	[tilespmem:s7], [sflag:$0x1] =	stream.indirect.gather [hbm4b:s2+s6], $0x80, s11, s6, $0xb8;
	[tilespmem:$0x4800] =	vst v63  }
0x8f: {  	_ =	swait.ge [sflag:s12], $0x2000  }
0x90: {  	[sflag:s12] =	ssyncset.done $0x0  }
0x91: {  	s0 =	rddreg [dreg:$0x7];
	[sflag:s12] =	ssyncadd.s32 $0xFFFFE000  }
0x92: {  	[hbm4b:s0+s3] =	stream.linear.scatter [tilespmem:s9], [sflag:$0x3], $0x2000, $0x38;
	[tilespmem:$0x4800] =	vst v63  }
0x93: {  	_ =	swait.ge [sflag:s5], $0x2000  }
0x94: {  	[sflag:s5] =	ssyncset.done $0x0  }
0x95: {  	[sflag:s5] =	ssyncadd.s32 $0xFFFFE000  }
0x96: {  	[tilespmem:s9], [sflag:$0x2] =	stream.indirect.gather [hbm4b:s2+s6], $0x80, s13, s6, $0xb8;
	[tilespmem:$0x4800] =	vst v63  }
0x97: {  	_ =	swait.ge [sflag:s10], $0x2000  }
0x98: {  	[sflag:s10] =	ssyncset.done $0x0  }
0x99: {  	[sflag:s10] =	ssyncadd.s32 $0xFFFFE000  }
0x9a: {  	[hbm4b:s14+s3] =	stream.linear.scatter [tilespmem:s7], [sflag:$0x3], $0x2000, $0x38;
	[tilespmem:$0x4800] =	vst v63  }
0x9b: {  	_ =	swait.ge [sflag:s5], $0x2000  }
0x9c: {  	[sflag:s5] =	ssyncset.done $0x0  }
0x9d: {  	[sflag:s5] =	ssyncadd.s32 $0xFFFFE000  }
0x9e: {  	[tilespmem:s7], [sflag:$0x1] =	stream.indirect.gather [hbm4b:s2+s6], $0x80, s15, s6, $0xb8;
	[tilespmem:$0x4800] =	vst v63  }
0x9f: {  	_ =	swait.ge [sflag:s12], $0x2000  }
0xa0: {  	[sflag:s12] =	ssyncset.done $0x0  }
0xa1: {  	[sflag:s12] =	ssyncadd.s32 $0xFFFFE000  }
0xa2: {  	[hbm4b:s16+s3] =	stream.linear.scatter [tilespmem:s9], [sflag:$0x3], $0x2000, $0x38;
	[tilespmem:$0x4800] =	vst v63  }
0xa3: {  	_ =	swait.ge [sflag:s5], $0x2000  }
0xa4: {  	[sflag:s5] =	ssyncset.done $0x0  }
0xa5: {  	[sflag:s5] =	ssyncadd.s32 $0xFFFFE000  }
0xa6: {  	[tilespmem:s9], [sflag:$0x2] =	stream.indirect.gather [hbm4b:s2+s6], $0x80, s17, s6, $0xb8;
	[tilespmem:$0x4800] =	vst v63  }
0xa7: {  	_ =	swait.ge [sflag:s10], $0x2000  }
0xa8: {  	[sflag:s10] =	ssyncset.done $0x0  }
0xa9: {  	[sflag:s10] =	ssyncadd.s32 $0xFFFFE000  }
0xaa: {  	[hbm4b:s18+s3] =	stream.linear.scatter [tilespmem:s7], [sflag:$0x3], $0x2000, $0x38;
	[tilespmem:$0x4800] =	vst v63  }
0xab: {  	_ =	swait.ge [sflag:s5], $0x2000  }
0xac: {  	[sflag:s5] =	ssyncset.done $0x0  }
0xad: {  	[sflag:s5] =	ssyncadd.s32 $0xFFFFE000  }
0xae: {  	[tilespmem:s7], [sflag:$0x1] =	stream.indirect.gather [hbm4b:s2+s6], $0x80, s19, s6, $0xb8;
	[tilespmem:$0x4800] =	vst v63  }
0xaf: {  	_ =	swait.ge [sflag:s12], $0x2000  }
0xb0: {  	[sflag:s12] =	ssyncset.done $0x0  }
0xb1: {  	[sflag:s12] =	ssyncadd.s32 $0xFFFFE000  }
0xb2: {  	[hbm4b:s20+s3] =	stream.linear.scatter [tilespmem:s9], [sflag:$0x3], $0x2000, $0x38;
	[tilespmem:$0x4800] =	vst v63  }
0xb3: {  	_ =	swait.ge [sflag:s5], $0x2000  }
0xb4: {  	[sflag:s5] =	ssyncset.done $0x0  }
0xb5: {  	[sflag:s5] =	ssyncadd.s32 $0xFFFFE000  }
0xb6: {  	[tilespmem:s9], [sflag:$0x2] =	stream.indirect.gather [hbm4b:s2+s6], $0x80, s21, s6, $0xb8;
	[tilespmem:$0x4800] =	vst v63  }
0xb7: {  	_ =	swait.ge [sflag:s10], $0x2000  }
0xb8: {  	[sflag:s10] =	ssyncset.done $0x0  }
0xb9: {  	[sflag:s10] =	ssyncadd.s32 $0xFFFFE000  }
0xba: {  	[hbm4b:s22+s3] =	stream.linear.scatter [tilespmem:s7], [sflag:$0x3], $0x2000, $0x38;
	[tilespmem:$0x4800] =	vst v63  }
0xbb: {  	_ =	swait.ge [sflag:s5], $0x2000  }
0xbc: {  	[sflag:s5] =	ssyncset.done $0x0  }
0xbd: {  	[sflag:s5] =	ssyncadd.s32 $0xFFFFE000  }
0xbe: {  	[tilespmem:s7], [sflag:$0x1] =	stream.indirect.gather [hbm4b:s2+s6], $0x80, s23, s6, $0xb8;
	[tilespmem:$0x4800] =	vst v63  }
0xbf: {  	_ =	swait.ge [sflag:s12], $0x2000  }
0xc0: {  	[sflag:s12] =	ssyncset.done $0x0  }
0xc1: {  	[sflag:s12] =	ssyncadd.s32 $0xFFFFE000  }
0xc2: {  	[hbm4b:s24+s3] =	stream.linear.scatter [tilespmem:s9], [sflag:$0x3], $0x2000, $0x38;
	[tilespmem:$0x4800] =	vst v63  }
0xc3: {  	_ =	swait.ge [sflag:s5], $0x2000  }
0xc4: {  	[sflag:s5] =	ssyncset.done $0x0  }
0xc5: {  	[sflag:s5] =	ssyncadd.s32 $0xFFFFE000  }
0xc6: {  	[tilespmem:s9], [sflag:$0x2] =	stream.indirect.gather [hbm4b:s2+s6], $0x80, s25, s6, $0xb8;
	[tilespmem:$0x4800] =	vst v63  }
0xc7: {  	_ =	swait.ge [sflag:s10], $0x2000  }
0xc8: {  	[sflag:s10] =	ssyncset.done $0x0  }
0xc9: {  	[sflag:s10] =	ssyncadd.s32 $0xFFFFE000  }
0xca: {  	[hbm4b:s26+s3] =	stream.linear.scatter [tilespmem:s7], [sflag:$0x3], $0x2000, $0x38;
	[tilespmem:$0x4800] =	vst v63  }
0xcb: {  	_ =	swait.ge [sflag:s5], $0x2000  }
0xcc: {  	[sflag:s5] =	ssyncset.done $0x0  }
0xcd: {  	[sflag:s5] =	ssyncadd.s32 $0xFFFFE000  }
0xce: {  	[tilespmem:s7], [sflag:$0x1] =	stream.indirect.gather [hbm4b:s2+s6], $0x80, s28, s6, $0xb8;
	[tilespmem:$0x4800] =	vst v63  }
0xcf: {  	_ =	swait.ge [sflag:s12], $0x2000  }
0xd0: {  	[sflag:s12] =	ssyncset.done $0x0  }
0xd1: {  	[sflag:s12] =	ssyncadd.s32 $0xFFFFE000  }
0xd2: {  	[hbm4b:s29+s3] =	stream.linear.scatter [tilespmem:s9], [sflag:$0x3], $0x2000, $0x38;
	[tilespmem:$0x4800] =	vst v63  }
0xd3: {  	_ =	swait.ge [sflag:s5], $0x2000  }
0xd4: {  	[sflag:s5] =	ssyncset.done $0x0  }
0xd5: {  	[sflag:s5] =	ssyncadd.s32 $0xFFFFE000  }
0xd6: {  	[tilespmem:s9], [sflag:$0x2] =	stream.indirect.gather [hbm4b:s2+s6], $0x80, s30, s6, $0xb8;
	[tilespmem:$0x4800] =	vst v63  }
0xd7: {  	_ =	swait.ge [sflag:s10], $0x2000  }
0xd8: {  	[sflag:s10] =	ssyncset.done $0x0  }
0xd9: {  	s0 =	rddreg [dreg:$0x4];
	[sflag:s10] =	ssyncadd.s32 $0xFFFFE000  }
0xda: {  	[hbm4b:s0+s3] =	stream.linear.scatter [tilespmem:s7], [sflag:$0x3], $0x2000, $0x38;
	[tilespmem:$0x4800] =	vst v63  }
0xdb: {  	_ =	swait.ge [sflag:s5], $0x2000  }
0xdc: {  	[sflag:s5] =	ssyncset.done $0x0  }
0xdd: {  	[sflag:s5] =	ssyncadd.s32 $0xFFFFE000  }
0xde: {  	[tilespmem:s7], [sflag:$0x1] =	stream.indirect.gather [hbm4b:s2+s6], $0x80, s31, s6, $0xb8;
	[tilespmem:$0x4800] =	vst v63  }
0xdf: {  	_ =	swait.ge [sflag:s12], $0x2000  }
0xe0: {  	[sflag:s12] =	ssyncset.done $0x0  }
0xe1: {  	s0 =	rddreg [dreg:$0x5];
	[sflag:s12] =	ssyncadd.s32 $0xFFFFE000  }
0xe2: {  	[hbm4b:s0+s3] =	stream.linear.scatter [tilespmem:s9], [sflag:$0x3], $0x2000, $0x38;
	[tilespmem:$0x4800] =	vst v63  }
0xe3: {  	_ =	swait.ge [sflag:s5], $0x2000  }
0xe4: {  	[sflag:s5] =	ssyncset.done $0x0  }
0xe5: {  	p0 =	sne.s32 s1, $0x1;
	[sflag:s5] =	ssyncadd.s32 $0xFFFFE000  }
.Ltmp1:
0xe6: {  	_ =	swait.ge [sflag:s10], $0x2000;
	(pc) =	sbr.rel @p0 .LBB2_1-.Ltmp1, $4  }
0xe7: {  	[sflag:s10] =	ssyncset.done $0x0  }
0xe8: {  	s0 =	rddreg [dreg:$0x6];
	[sflag:s10] =	ssyncadd.s32 $0xFFFFE000  }
0xe9: {  	[hbm4b:s0+s3] =	stream.linear.scatter [tilespmem:s7], [sflag:$0x3], $0x2000, $0x38;
	[tilespmem:$0x4800] =	vst v63  }
0xea: {  	s1 =	sadd.s32 $0xFFFFFFFF, s1;
	_ =	swait.ge [sflag:s5], $0x2000  }
.LBB2_2:
0xeb: {  	[sflag:s5] =	ssyncset.done $0x0  }
0xec: {  	[sflag:s5] =	ssyncadd.s32 $0xFFFFE000  }
0xed: {  	_ =	sfence.sel $0x180000  }
0xee: {  	[bflag:$0x0] =	sbarrier.arrive $0xFFFF  }
0xef: {  	_ =	strace $0x9000004A  }
0xf0: {  	s0 =	stileid.u32;
	[bflag:$0x2] =	sbarrier.arrive $0xFFFF  }
0xf1: {  	p0 =	sne.s32 s0, $0x0;
	s0 =	rddreg [dreg:$0x2]  }
0xf2: {  	s0 =	sadd.s32 @!p0 $0x100000, s0  }
0xf3: {  	[sflag:s0] =	ssyncadd.tile.s32 @!p0 $0x1;
	_ =	shalt  }
.Lfunc_end2:
_tile_overlayer_lowered:
.L_overlay_start_2:
0xf4: {  	(tag) =	ssettag $0x2  }
0xf5: {  	s0 =	rddreg [dreg:$0x0];
	s2 =	stileid.u32  }
0xf6: {  	s1 =	rddreg [dreg:$0x1];
	p0 =	sne.s32 s2, $0x0  }
0xf7: {  	s3 =	rddreg [dreg:$0x2];
	[bflag:$0x3] =	sbarrier.arrive $0xFFFF;
	s2 =	simm.s32 @!p0 $0x1C03  }
0xf8: {  	[timem:s3], [sflag:s2] =	dma.local @!p0 [hbm:s0], s1  }
0xf9: {  	s0 =	simm.s32 @!p0 $0x3  }
0xfa: {  	_ =	swait.ge @!p0 [sflag:s0], s1  }
0xfb: {  	s1 =	ssub.s32 @!p0 $0x0, s1;
	[sflag:s0] =	ssyncset.done @!p0 $0x0  }
0xfc: {  	[sflag:s0] =	ssyncadd.s32 @!p0 s1  }
0xfd: {  	[bflag:$0x3] =	sbarrier.arrive $0xFFFF  }
0xfe: {  	_ =	shalt  }

</sc_bundles>
